<compile_context>
chip_gen: v7x
topology: tpu7x:2x2x1
jax: 0.10.2.dev20260603
libtpu: 0.0.44.dev20260713+nightly
codegen_flags: <defaults>
</compile_context>

<pallas_src>
import functools

import jax
import jax.numpy as jnp
from jax import lax
from jax.experimental import pallas as pl
from jax.experimental.pallas import tpu as pltpu
from jax.experimental.pallas import tpu_sc as plsc

_B, _L, _D, _V = 1024, 200, 128, 5
_NC, _NS = 2, 16
_NW = _NC * _NS
_TOK = _B * _L
_TPW = _TOK // _NW
_GC = 128
_NCHUNK = _TPW // _GC
_NBUF = 2
_HEAD = _NBUF * _GC // 16


def _fuse_body(tab_ref, pe_ref, out_ref):
    out_ref[...] = tab_ref[...][:, None, :] + pe_ref[...][None, :, :]


def _build_combined(table, pe2d):
    return pl.pallas_call(
        _fuse_body,
        out_shape=jax.ShapeDtypeStruct((_V, _L, _D), jnp.float32),
    )(table, pe2d)


@functools.cache
def _make_sc_gather():
    mesh = plsc.VectorSubcoreMesh(core_axis_name="c", subcore_axis_name="s")
    return pl.kernel(
        _sc_gather_body,
        mesh=mesh,
        out_type=jax.ShapeDtypeStruct((_TOK, _D), jnp.float32),
        scratch_types=[
            pltpu.VMEM((_TPW,), jnp.int32),
            pltpu.VMEM((_TPW,), jnp.int32),
            pltpu.VMEM((_NBUF, _GC, _D), jnp.float32),
            pltpu.VMEM_SHARED((_V * _L, _D), jnp.float32),
            pltpu.SemaphoreType.DMA,
            pltpu.SemaphoreType.DMA,
            pltpu.SemaphoreType.DMA,
            pltpu.SemaphoreType.DMA,
            pltpu.SemaphoreType.DMA,
        ],
    )


def _sc_gather_body(comb_hbm, x_hbm, out_hbm,
                    x_v, idx_v, bufs, comb_sp,
                    g0, g1, o0, o1, xs):
    gsems = (g0, g1)
    osems = (o0, o1)
    sid = lax.axis_index("s")
    wid = sid * _NC + lax.axis_index("c")
    base = wid * _TPW

    pltpu.async_copy(x_hbm.at[pl.ds(base, _TPW)], x_v, xs)

    @pl.when(sid == 0)
    def _():
        pltpu.sync_copy(comb_hbm, comb_sp)

    pltpu.make_async_copy(x_hbm.at[pl.ds(base, _TPW)], x_v, xs).wait()

    def idx_body(i, lvec):
        s = pl.ds(i * 16, 16)
        idx_v[s] = x_v[s] * _L + lvec
        nxt = lvec + 16
        return jnp.where(nxt >= _L, nxt - _L, nxt)

    lvec_head = lax.fori_loop(0, _HEAD, idx_body, lax.iota(jnp.int32, 16),
                              unroll=8)

    plsc.subcore_barrier()

    def fire_gather(c, b):
        pltpu.async_copy(
            comb_sp.at[idx_v.at[pl.ds(c * _GC, _GC)]],
            bufs.at[b], gsems[b])

    def wait_gather(b):
        pltpu.make_async_copy(
            comb_sp.at[idx_v.at[pl.ds(0, _GC)]],
            bufs.at[b], gsems[b]).wait()

    def fire_out(c, b):
        pltpu.async_copy(
            bufs.at[b], out_hbm.at[pl.ds(base + c * _GC, _GC)],
            osems[b])

    def wait_out(b):
        pltpu.make_async_copy(
            bufs.at[b], out_hbm.at[pl.ds(base, _GC)], osems[b]).wait()

    for b in range(_NBUF):
        fire_gather(b, b)

    lax.fori_loop(_HEAD, _TPW // 16, idx_body, lvec_head, unroll=8)

    def round_body(g, carry):
        for b in range(_NBUF):
            c = g * _NBUF + b
            wait_gather(b)
            fire_out(c, b)

            @pl.when(c + _NBUF < _NCHUNK)
            def _():
                wait_out(b)
                fire_gather(c + _NBUF, b)
        return carry

    lax.fori_loop(0, _NCHUNK // _NBUF, round_body, 0)
    for b in range(_NBUF):
        wait_out(b)


def kernel(x, table, pos_encoding):
    pe2d = pos_encoding[0, :_L, :]
    comb = _build_combined(table, pe2d).reshape(_V * _L, _D)
    x_flat = x.reshape(_TOK)
    out_flat = _make_sc_gather()(comb, x_flat)
    return out_flat.reshape(_B, _L, _D)

# --- scband reference (transcript-rebuilt; emitter-appended) ---
"""Pipeline reference for scband-gene-embedding-30185030156587 (READ-ONLY COPY).

The authoritative reference and input builder live on the scoring server;
editing this copy changes nothing except your own understanding.
"""

import jax, jax.numpy as jnp
import numpy as np


def _create_position_encoding(max_length: int, d_model: int) -> jnp.ndarray:
    position = np.arange(0, max_length).astype(np.float32)[:, None]
    div_term = np.exp(np.arange(0, d_model, 2).astype(np.float32) * -(np.log(10000.0) / d_model))
    pe = np.zeros((max_length, d_model), dtype=np.float32)
    pe[:, 0::2] = np.sin(position * div_term)
    pe[:, 1::2] = np.cos(position * div_term)
    return jnp.asarray(pe)[None, :, :]  # [1, max_length, d_model]


def setup_inputs(seed: int = 0) -> dict:
    key = jax.random.key(seed)
    k_x, k_tab = jax.random.split(key)
    B, L, D = 1024, 200, 128
    x = jax.random.randint(k_x, (B, L), 0, 5, dtype=jnp.int32)
    # nn.Embedding default init: N(0, 1)
    table = jax.random.normal(k_tab, (5, D), dtype=jnp.float32)
    pos_encoding = _create_position_encoding(2048, D)
    return {"x": x, "table": table, "pos_encoding": pos_encoding}


def reference(x, table, pos_encoding):
    # embedding lookup (gather)
    seq_len = x.shape[1]
    embeddings = jnp.take(table, x, axis=0)  # [B, L, D]
    pe = pos_encoding[:, :seq_len, :]
    out = embeddings + pe
    # dropout is identity in eval / deterministic reference
    return out

if __name__ == "__main__":
    import jax
    _d = setup_inputs()
    print(jax.jit(kernel)(*tuple(_d.values())))

</pallas_src>

<mosaic_0001>
#map = affine_map<(d0, d1) -> (0, 0)>
#map1 = affine_map<(d0, d1) -> (0)>
module attributes {stable_mosaic.version = 14 : i64} {
  func.func @_sc_gather_body(%arg0: i32, %arg1: i32, %arg2: memref<1000x128xf32, #tpu.memory_space<hbm>>, %arg3: memref<204800xi32, #tpu.memory_space<hbm>>, %arg4: memref<204800x128xf32, #tpu.memory_space<hbm>>, %arg5: memref<6400xi32, #tpu.memory_space<vmem>>, %arg6: memref<6400xi32, #tpu.memory_space<vmem>>, %arg7: memref<2x128x128xf32, #tpu.memory_space<vmem>>, %arg8: memref<1000x128xf32, #tpu.memory_space<vmem_shared>>, %arg9: memref<!tpu.dma_semaphore, #tpu.memory_space<semaphore_mem>>, %arg10: memref<!tpu.dma_semaphore, #tpu.memory_space<semaphore_mem>>, %arg11: memref<!tpu.dma_semaphore, #tpu.memory_space<semaphore_mem>>, %arg12: memref<!tpu.dma_semaphore, #tpu.memory_space<semaphore_mem>>, %arg13: memref<!tpu.dma_semaphore, #tpu.memory_space<semaphore_mem>>) attributes {dimension_semantics = [#tpu.dimension_semantics<core_parallel>, #tpu.dimension_semantics<subcore_parallel>], iteration_bounds = array<i64: 2, 16>, scalar_prefetch = 0 : i64, scratch_operands = 9 : i64, tpu.core_type = #tpu.core_type<sc_vector_subcore>, window_params = [{transform_indices = #map}, {transform_indices = #map1}, {transform_indices = #map}]} {
    %mul3A = arith.constant 2 : i32
    %mul3A_0 = arith.muli %arg1, %mul3A : i32
    %add3A = arith.addi %mul3A_0, %arg0 : i32
    %mul3A_1 = arith.constant 6400 : i32
    %mul3A_2 = arith.muli %add3A, %mul3A_1 : i32
    %dma_start3A = tpu.memref_slice %arg3[%mul3A_2] : memref<204800xi32, #tpu.memory_space<hbm>> -> memref<6400xi32, #tpu.memory_space<hbm>>
    %dma_start3A_3 = tpu.memref_slice %arg3[%mul3A_2] : memref<204800xi32, #tpu.memory_space<hbm>> -> memref<6400xi32, #tpu.memory_space<hbm>>
    tpu.enqueue_dma source(%dma_start3A_3 : memref<6400xi32, #tpu.memory_space<hbm>>) target(%arg5 : memref<6400xi32, #tpu.memory_space<vmem>>) target_semaphore(%arg13 : memref<!tpu.dma_semaphore, #tpu.memory_space<semaphore_mem>>)
    %eq3A = arith.constant 0 : i32
    %eq3A_4 = arith.cmpi eq, %arg1, %eq3A : i32
    %convert_element_type3A = arith.extui %eq3A_4 : i1 to i32
    %cond3A = arith.constant 0 : i32
    %cond3A_5 = arith.cmpi ne, %convert_element_type3A, %cond3A : i32
    scf.if %cond3A_5 {
      "tpu.region"() ({
        %run_scoped3A = tpu.sem_alloc : memref<!tpu.dma_semaphore, #tpu.memory_space<semaphore_mem>>
        tpu.enqueue_dma source(%arg2 : memref<1000x128xf32, #tpu.memory_space<hbm>>) target(%arg8 : memref<1000x128xf32, #tpu.memory_space<vmem_shared>>) target_semaphore(%run_scoped3A : memref<!tpu.dma_semaphore, #tpu.memory_space<semaphore_mem>>)
        tpu.wait_dma2 semaphore(%run_scoped3A : memref<!tpu.dma_semaphore, #tpu.memory_space<semaphore_mem>>) src(%arg2 : memref<1000x128xf32, #tpu.memory_space<hbm>>) dst(%arg8 : memref<1000x128xf32, #tpu.memory_space<vmem_shared>>)
        tpu.yield
      }) : () -> ()
    } else {
    }
    %dma_wait3A = tpu.memref_slice %arg3[%mul3A_2] : memref<204800xi32, #tpu.memory_space<hbm>> -> memref<6400xi32, #tpu.memory_space<hbm>>
    %dma_wait3A_6 = tpu.memref_slice %arg3[%mul3A_2] : memref<204800xi32, #tpu.memory_space<hbm>> -> memref<6400xi32, #tpu.memory_space<hbm>>
    tpu.wait_dma2 semaphore(%arg13 : memref<!tpu.dma_semaphore, #tpu.memory_space<semaphore_mem>>) src(%dma_wait3A_6 : memref<6400xi32, #tpu.memory_space<hbm>>) dst(%arg5 : memref<6400xi32, #tpu.memory_space<vmem>>)
    %iota3A = tpu.iota {dimensions = array<i32: 0>} : vector<16xi32>
    %scan3A = arith.constant 0 : i32
    %scan3A_7 = arith.constant 16 : i32
    %scan3A_8 = arith.addi %scan3A, %scan3A_7 : i32
    %scan3A_9 = arith.constant 8 : i32
    %scan3A_10 = scf.for %scan3A_70 = %scan3A to %scan3A_8 step %scan3A_9 iter_args(%scan3A_71 = %iota3A) -> (vector<16xi32>)  : i32 {
      %mul3A_72 = arith.constant 16 : i32
      %mul3A_73 = arith.muli %scan3A_70, %mul3A_72 : i32
      %get3A = arith.index_cast %mul3A_73 : i32 to index
      %get3A_74 = tpu.vector_load %arg5[%get3A] {strides = array<i32>} : memref<6400xi32, #tpu.memory_space<vmem>>, vector<16xi32>,
      %get3A_75 = vector.shape_cast %get3A_74 : vector<16xi32> to vector<16xi32>
      %mul3A_76 = arith.constant 200 : i32
      %mul3A_77 = vector.broadcast %mul3A_76 : i32 to vector<16xi32>
      %mul3A_78 = arith.muli %get3A_75, %mul3A_77 : vector<16xi32>
      %add3A_79 = arith.addi %mul3A_78, %scan3A_71 : vector<16xi32>
      %swap3A = arith.index_cast %mul3A_73 : i32 to index
      %swap3A_80 = tpu.vector_load %arg6[%swap3A] {strides = array<i32>} : memref<6400xi32, #tpu.memory_space<vmem>>, vector<16xi32>,
      %swap3A_81 = vector.shape_cast %swap3A_80 : vector<16xi32> to vector<16xi32>
      %swap3A_82 = vector.shape_cast %add3A_79 : vector<16xi32> to vector<16xi32>
      tpu.vector_store %arg6[%swap3A], %swap3A_82 {strides = array<i32>} : memref<6400xi32, #tpu.memory_space<vmem>>, vector<16xi32>,
      %add3A_83 = arith.constant 16 : i32
      %add3A_84 = vector.broadcast %add3A_83 : i32 to vector<16xi32>
      %add3A_85 = arith.addi %scan3A_71, %add3A_84 : vector<16xi32>
      %ge3A = arith.constant 200 : i32
      %ge3A_86 = vector.broadcast %ge3A : i32 to vector<16xi32>
      %ge3A_87 = arith.cmpi sge, %add3A_85, %ge3A_86 : vector<16xi32>
      %sub3A = arith.constant 200 : i32
      %sub3A_88 = vector.broadcast %sub3A : i32 to vector<16xi32>
      %sub3A_89 = arith.subi %add3A_85, %sub3A_88 : vector<16xi32>
      %select_n3A = arith.select %ge3A_87, %sub3A_89, %add3A_85 : vector<16xi1>, vector<16xi32>
      %scan3A_90 = arith.constant 1 : i32
      %scan3A_91 = arith.addi %scan3A_70, %scan3A_90 : i32
      %mul3A_92 = arith.constant 16 : i32
      %mul3A_93 = arith.muli %scan3A_91, %mul3A_92 : i32
      %get3A_94 = arith.index_cast %mul3A_93 : i32 to index
      %get3A_95 = tpu.vector_load %arg5[%get3A_94] {strides = array<i32>} : memref<6400xi32, #tpu.memory_space<vmem>>, vector<16xi32>,
      %get3A_96 = vector.shape_cast %get3A_95 : vector<16xi32> to vector<16xi32>
      %mul3A_97 = arith.constant 200 : i32
      %mul3A_98 = vector.broadcast %mul3A_97 : i32 to vector<16xi32>
      %mul3A_99 = arith.muli %get3A_96, %mul3A_98 : vector<16xi32>
      %add3A_100 = arith.addi %mul3A_99, %select_n3A : vector<16xi32>
      %swap3A_101 = arith.index_cast %mul3A_93 : i32 to index
      %swap3A_102 = tpu.vector_load %arg6[%swap3A_101] {strides = array<i32>} : memref<6400xi32, #tpu.memory_space<vmem>>, vector<16xi32>,
      %swap3A_103 = vector.shape_cast %swap3A_102 : vector<16xi32> to vector<16xi32>
      %swap3A_104 = vector.shape_cast %add3A_100 : vector<16xi32> to vector<16xi32>
      tpu.vector_store %arg6[%swap3A_101], %swap3A_104 {strides = array<i32>} : memref<6400xi32, #tpu.memory_space<vmem>>, vector<16xi32>,
      %add3A_105 = arith.constant 16 : i32
      %add3A_106 = vector.broadcast %add3A_105 : i32 to vector<16xi32>
      %add3A_107 = arith.addi %select_n3A, %add3A_106 : vector<16xi32>
      %ge3A_108 = arith.constant 200 : i32
      %ge3A_109 = vector.broadcast %ge3A_108 : i32 to vector<16xi32>
      %ge3A_110 = arith.cmpi sge, %add3A_107, %ge3A_109 : vector<16xi32>
      %sub3A_111 = arith.constant 200 : i32
      %sub3A_112 = vector.broadcast %sub3A_111 : i32 to vector<16xi32>
      %sub3A_113 = arith.subi %add3A_107, %sub3A_112 : vector<16xi32>
      %select_n3A_114 = arith.select %ge3A_110, %sub3A_113, %add3A_107 : vector<16xi1>, vector<16xi32>
      %scan3A_115 = arith.constant 2 : i32
      %scan3A_116 = arith.addi %scan3A_70, %scan3A_115 : i32
      %mul3A_117 = arith.constant 16 : i32
      %mul3A_118 = arith.muli %scan3A_116, %mul3A_117 : i32
      %get3A_119 = arith.index_cast %mul3A_118 : i32 to index
      %get3A_120 = tpu.vector_load %arg5[%get3A_119] {strides = array<i32>} : memref<6400xi32, #tpu.memory_space<vmem>>, vector<16xi32>,
      %get3A_121 = vector.shape_cast %get3A_120 : vector<16xi32> to vector<16xi32>
      %mul3A_122 = arith.constant 200 : i32
      %mul3A_123 = vector.broadcast %mul3A_122 : i32 to vector<16xi32>
      %mul3A_124 = arith.muli %get3A_121, %mul3A_123 : vector<16xi32>
      %add3A_125 = arith.addi %mul3A_124, %select_n3A_114 : vector<16xi32>
      %swap3A_126 = arith.index_cast %mul3A_118 : i32 to index
      %swap3A_127 = tpu.vector_load %arg6[%swap3A_126] {strides = array<i32>} : memref<6400xi32, #tpu.memory_space<vmem>>, vector<16xi32>,
      %swap3A_128 = vector.shape_cast %swap3A_127 : vector<16xi32> to vector<16xi32>
      %swap3A_129 = vector.shape_cast %add3A_125 : vector<16xi32> to vector<16xi32>
      tpu.vector_store %arg6[%swap3A_126], %swap3A_129 {strides = array<i32>} : memref<6400xi32, #tpu.memory_space<vmem>>, vector<16xi32>,
      %add3A_130 = arith.constant 16 : i32
      %add3A_131 = vector.broadcast %add3A_130 : i32 to vector<16xi32>
      %add3A_132 = arith.addi %select_n3A_114, %add3A_131 : vector<16xi32>
      %ge3A_133 = arith.constant 200 : i32
      %ge3A_134 = vector.broadcast %ge3A_133 : i32 to vector<16xi32>
      %ge3A_135 = arith.cmpi sge, %add3A_132, %ge3A_134 : vector<16xi32>
      %sub3A_136 = arith.constant 200 : i32
      %sub3A_137 = vector.broadcast %sub3A_136 : i32 to vector<16xi32>
      %sub3A_138 = arith.subi %add3A_132, %sub3A_137 : vector<16xi32>
      %select_n3A_139 = arith.select %ge3A_135, %sub3A_138, %add3A_132 : vector<16xi1>, vector<16xi32>
      %scan3A_140 = arith.constant 3 : i32
      %scan3A_141 = arith.addi %scan3A_70, %scan3A_140 : i32
      %mul3A_142 = arith.constant 16 : i32
      %mul3A_143 = arith.muli %scan3A_141, %mul3A_142 : i32
      %get3A_144 = arith.index_cast %mul3A_143 : i32 to index
      %get3A_145 = tpu.vector_load %arg5[%get3A_144] {strides = array<i32>} : memref<6400xi32, #tpu.memory_space<vmem>>, vector<16xi32>,
      %get3A_146 = vector.shape_cast %get3A_145 : vector<16xi32> to vector<16xi32>
      %mul3A_147 = arith.constant 200 : i32
      %mul3A_148 = vector.broadcast %mul3A_147 : i32 to vector<16xi32>
      %mul3A_149 = arith.muli %get3A_146, %mul3A_148 : vector<16xi32>
      %add3A_150 = arith.addi %mul3A_149, %select_n3A_139 : vector<16xi32>
      %swap3A_151 = arith.index_cast %mul3A_143 : i32 to index
      %swap3A_152 = tpu.vector_load %arg6[%swap3A_151] {strides = array<i32>} : memref<6400xi32, #tpu.memory_space<vmem>>, vector<16xi32>,
      %swap3A_153 = vector.shape_cast %swap3A_152 : vector<16xi32> to vector<16xi32>
      %swap3A_154 = vector.shape_cast %add3A_150 : vector<16xi32> to vector<16xi32>
      tpu.vector_store %arg6[%swap3A_151], %swap3A_154 {strides = array<i32>} : memref<6400xi32, #tpu.memory_space<vmem>>, vector<16xi32>,
      %add3A_155 = arith.constant 16 : i32
      %add3A_156 = vector.broadcast %add3A_155 : i32 to vector<16xi32>
      %add3A_157 = arith.addi %select_n3A_139, %add3A_156 : vector<16xi32>
      %ge3A_158 = arith.constant 200 : i32
      %ge3A_159 = vector.broadcast %ge3A_158 : i32 to vector<16xi32>
      %ge3A_160 = arith.cmpi sge, %add3A_157, %ge3A_159 : vector<16xi32>
      %sub3A_161 = arith.constant 200 : i32
      %sub3A_162 = vector.broadcast %sub3A_161 : i32 to vector<16xi32>
      %sub3A_163 = arith.subi %add3A_157, %sub3A_162 : vector<16xi32>
      %select_n3A_164 = arith.select %ge3A_160, %sub3A_163, %add3A_157 : vector<16xi1>, vector<16xi32>
      %scan3A_165 = arith.constant 4 : i32
      %scan3A_166 = arith.addi %scan3A_70, %scan3A_165 : i32
      %mul3A_167 = arith.constant 16 : i32
      %mul3A_168 = arith.muli %scan3A_166, %mul3A_167 : i32
      %get3A_169 = arith.index_cast %mul3A_168 : i32 to index
      %get3A_170 = tpu.vector_load %arg5[%get3A_169] {strides = array<i32>} : memref<6400xi32, #tpu.memory_space<vmem>>, vector<16xi32>,
      %get3A_171 = vector.shape_cast %get3A_170 : vector<16xi32> to vector<16xi32>
      %mul3A_172 = arith.constant 200 : i32
      %mul3A_173 = vector.broadcast %mul3A_172 : i32 to vector<16xi32>
      %mul3A_174 = arith.muli %get3A_171, %mul3A_173 : vector<16xi32>
      %add3A_175 = arith.addi %mul3A_174, %select_n3A_164 : vector<16xi32>
      %swap3A_176 = arith.index_cast %mul3A_168 : i32 to index
      %swap3A_177 = tpu.vector_load %arg6[%swap3A_176] {strides = array<i32>} : memref<6400xi32, #tpu.memory_space<vmem>>, vector<16xi32>,
      %swap3A_178 = vector.shape_cast %swap3A_177 : vector<16xi32> to vector<16xi32>
      %swap3A_179 = vector.shape_cast %add3A_175 : vector<16xi32> to vector<16xi32>
      tpu.vector_store %arg6[%swap3A_176], %swap3A_179 {strides = array<i32>} : memref<6400xi32, #tpu.memory_space<vmem>>, vector<16xi32>,
      %add3A_180 = arith.constant 16 : i32
      %add3A_181 = vector.broadcast %add3A_180 : i32 to vector<16xi32>
      %add3A_182 = arith.addi %select_n3A_164, %add3A_181 : vector<16xi32>
      %ge3A_183 = arith.constant 200 : i32
      %ge3A_184 = vector.broadcast %ge3A_183 : i32 to vector<16xi32>
      %ge3A_185 = arith.cmpi sge, %add3A_182, %ge3A_184 : vector<16xi32>
      %sub3A_186 = arith.constant 200 : i32
      %sub3A_187 = vector.broadcast %sub3A_186 : i32 to vector<16xi32>
      %sub3A_188 = arith.subi %add3A_182, %sub3A_187 : vector<16xi32>
      %select_n3A_189 = arith.select %ge3A_185, %sub3A_188, %add3A_182 : vector<16xi1>, vector<16xi32>
      %scan3A_190 = arith.constant 5 : i32
      %scan3A_191 = arith.addi %scan3A_70, %scan3A_190 : i32
      %mul3A_192 = arith.constant 16 : i32
      %mul3A_193 = arith.muli %scan3A_191, %mul3A_192 : i32
      %get3A_194 = arith.index_cast %mul3A_193 : i32 to index
      %get3A_195 = tpu.vector_load %arg5[%get3A_194] {strides = array<i32>} : memref<6400xi32, #tpu.memory_space<vmem>>, vector<16xi32>,
      %get3A_196 = vector.shape_cast %get3A_195 : vector<16xi32> to vector<16xi32>
      %mul3A_197 = arith.constant 200 : i32
      %mul3A_198 = vector.broadcast %mul3A_197 : i32 to vector<16xi32>
      %mul3A_199 = arith.muli %get3A_196, %mul3A_198 : vector<16xi32>
      %add3A_200 = arith.addi %mul3A_199, %select_n3A_189 : vector<16xi32>
      %swap3A_201 = arith.index_cast %mul3A_193 : i32 to index
      %swap3A_202 = tpu.vector_load %arg6[%swap3A_201] {strides = array<i32>} : memref<6400xi32, #tpu.memory_space<vmem>>, vector<16xi32>,
      %swap3A_203 = vector.shape_cast %swap3A_202 : vector<16xi32> to vector<16xi32>
      %swap3A_204 = vector.shape_cast %add3A_200 : vector<16xi32> to vector<16xi32>
      tpu.vector_store %arg6[%swap3A_201], %swap3A_204 {strides = array<i32>} : memref<6400xi32, #tpu.memory_space<vmem>>, vector<16xi32>,
      %add3A_205 = arith.constant 16 : i32
      %add3A_206 = vector.broadcast %add3A_205 : i32 to vector<16xi32>
      %add3A_207 = arith.addi %select_n3A_189, %add3A_206 : vector<16xi32>
      %ge3A_208 = arith.constant 200 : i32
      %ge3A_209 = vector.broadcast %ge3A_208 : i32 to vector<16xi32>
      %ge3A_210 = arith.cmpi sge, %add3A_207, %ge3A_209 : vector<16xi32>
      %sub3A_211 = arith.constant 200 : i32
      %sub3A_212 = vector.broadcast %sub3A_211 : i32 to vector<16xi32>
      %sub3A_213 = arith.subi %add3A_207, %sub3A_212 : vector<16xi32>
      %select_n3A_214 = arith.select %ge3A_210, %sub3A_213, %add3A_207 : vector<16xi1>, vector<16xi32>
      %scan3A_215 = arith.constant 6 : i32
      %scan3A_216 = arith.addi %scan3A_70, %scan3A_215 : i32
      %mul3A_217 = arith.constant 16 : i32
      %mul3A_218 = arith.muli %scan3A_216, %mul3A_217 : i32
      %get3A_219 = arith.index_cast %mul3A_218 : i32 to index
      %get3A_220 = tpu.vector_load %arg5[%get3A_219] {strides = array<i32>} : memref<6400xi32, #tpu.memory_space<vmem>>, vector<16xi32>,
      %get3A_221 = vector.shape_cast %get3A_220 : vector<16xi32> to vector<16xi32>
      %mul3A_222 = arith.constant 200 : i32
      %mul3A_223 = vector.broadcast %mul3A_222 : i32 to vector<16xi32>
      %mul3A_224 = arith.muli %get3A_221, %mul3A_223 : vector<16xi32>
      %add3A_225 = arith.addi %mul3A_224, %select_n3A_214 : vector<16xi32>
      %swap3A_226 = arith.index_cast %mul3A_218 : i32 to index
      %swap3A_227 = tpu.vector_load %arg6[%swap3A_226] {strides = array<i32>} : memref<6400xi32, #tpu.memory_space<vmem>>, vector<16xi32>,
      %swap3A_228 = vector.shape_cast %swap3A_227 : vector<16xi32> to vector<16xi32>
      %swap3A_229 = vector.shape_cast %add3A_225 : vector<16xi32> to vector<16xi32>
      tpu.vector_store %arg6[%swap3A_226], %swap3A_229 {strides = array<i32>} : memref<6400xi32, #tpu.memory_space<vmem>>, vector<16xi32>,
      %add3A_230 = arith.constant 16 : i32
      %add3A_231 = vector.broadcast %add3A_230 : i32 to vector<16xi32>
      %add3A_232 = arith.addi %select_n3A_214, %add3A_231 : vector<16xi32>
      %ge3A_233 = arith.constant 200 : i32
      %ge3A_234 = vector.broadcast %ge3A_233 : i32 to vector<16xi32>
      %ge3A_235 = arith.cmpi sge, %add3A_232, %ge3A_234 : vector<16xi32>
      %sub3A_236 = arith.constant 200 : i32
      %sub3A_237 = vector.broadcast %sub3A_236 : i32 to vector<16xi32>
      %sub3A_238 = arith.subi %add3A_232, %sub3A_237 : vector<16xi32>
      %select_n3A_239 = arith.select %ge3A_235, %sub3A_238, %add3A_232 : vector<16xi1>, vector<16xi32>
      %scan3A_240 = arith.constant 7 : i32
      %scan3A_241 = arith.addi %scan3A_70, %scan3A_240 : i32
      %mul3A_242 = arith.constant 16 : i32
      %mul3A_243 = arith.muli %scan3A_241, %mul3A_242 : i32
      %get3A_244 = arith.index_cast %mul3A_243 : i32 to index
      %get3A_245 = tpu.vector_load %arg5[%get3A_244] {strides = array<i32>} : memref<6400xi32, #tpu.memory_space<vmem>>, vector<16xi32>,
      %get3A_246 = vector.shape_cast %get3A_245 : vector<16xi32> to vector<16xi32>
      %mul3A_247 = arith.constant 200 : i32
      %mul3A_248 = vector.broadcast %mul3A_247 : i32 to vector<16xi32>
      %mul3A_249 = arith.muli %get3A_246, %mul3A_248 : vector<16xi32>
      %add3A_250 = arith.addi %mul3A_249, %select_n3A_239 : vector<16xi32>
      %swap3A_251 = arith.index_cast %mul3A_243 : i32 to index
      %swap3A_252 = tpu.vector_load %arg6[%swap3A_251] {strides = array<i32>} : memref<6400xi32, #tpu.memory_space<vmem>>, vector<16xi32>,
      %swap3A_253 = vector.shape_cast %swap3A_252 : vector<16xi32> to vector<16xi32>
      %swap3A_254 = vector.shape_cast %add3A_250 : vector<16xi32> to vector<16xi32>
      tpu.vector_store %arg6[%swap3A_251], %swap3A_254 {strides = array<i32>} : memref<6400xi32, #tpu.memory_space<vmem>>, vector<16xi32>,
      %add3A_255 = arith.constant 16 : i32
      %add3A_256 = vector.broadcast %add3A_255 : i32 to vector<16xi32>
      %add3A_257 = arith.addi %select_n3A_239, %add3A_256 : vector<16xi32>
      %ge3A_258 = arith.constant 200 : i32
      %ge3A_259 = vector.broadcast %ge3A_258 : i32 to vector<16xi32>
      %ge3A_260 = arith.cmpi sge, %add3A_257, %ge3A_259 : vector<16xi32>
      %sub3A_261 = arith.constant 200 : i32
      %sub3A_262 = vector.broadcast %sub3A_261 : i32 to vector<16xi32>
      %sub3A_263 = arith.subi %add3A_257, %sub3A_262 : vector<16xi32>
      %select_n3A_264 = arith.select %ge3A_260, %sub3A_263, %add3A_257 : vector<16xi1>, vector<16xi32>
      scf.yield %select_n3A_264 : vector<16xi32>
    }
    %scan3A_11 = arith.constant 16 : i32
    %barrier3A = arith.constant 0 : index
    tpu.barrier barrier_id(%barrier3A)
    %dma_start3A_12 = arith.constant 0 : i32
    %dma_start3A_13 = arith.constant 0 : i32
    %dma_start3A_14 = arith.constant 0 : i32
    %dma_start3A_15 = tpu.memref_slice %arg7[%dma_start3A_12, %dma_start3A_13, %dma_start3A_14] : memref<2x128x128xf32, #tpu.memory_space<vmem>> -> memref<1x128x128xf32, #tpu.memory_space<vmem>>
    %dma_start3A_16 = tpu.memref_squeeze %dma_start3A_15 : memref<1x128x128xf32, #tpu.memory_space<vmem>> -> memref<128x128xf32, #tpu.memory_space<vmem>>
    %dma_start3A_17 = arith.constant 0 : i32
    %dma_start3A_18 = tpu.memref_slice %arg6[%dma_start3A_17] : memref<6400xi32, #tpu.memory_space<vmem>> -> memref<128xi32, #tpu.memory_space<vmem>>
    %dma_start3A_19 = arith.constant 0 : i32
    %dma_start3A_20 = arith.constant 0 : i32
    %dma_start3A_21 = tpu.memref_slice %arg8[%dma_start3A_19, %dma_start3A_20] : memref<1000x128xf32, #tpu.memory_space<vmem_shared>> -> memref<1000x128xf32, #tpu.memory_space<vmem_shared>>
    tpu.enqueue_indirect_dma source(%dma_start3A_21 : memref<1000x128xf32, #tpu.memory_space<vmem_shared>>) target(%dma_start3A_16 : memref<128x128xf32, #tpu.memory_space<vmem>>) offsets(%dma_start3A_18 : memref<128xi32, #tpu.memory_space<vmem>>) semaphore(%arg9 : memref<!tpu.dma_semaphore, #tpu.memory_space<semaphore_mem>>)
    %dma_start3A_22 = arith.constant 1 : i32
    %dma_start3A_23 = arith.constant 0 : i32
    %dma_start3A_24 = arith.constant 0 : i32
    %dma_start3A_25 = tpu.memref_slice %arg7[%dma_start3A_22, %dma_start3A_23, %dma_start3A_24] : memref<2x128x128xf32, #tpu.memory_space<vmem>> -> memref<1x128x128xf32, #tpu.memory_space<vmem>>
    %dma_start3A_26 = tpu.memref_squeeze %dma_start3A_25 : memref<1x128x128xf32, #tpu.memory_space<vmem>> -> memref<128x128xf32, #tpu.memory_space<vmem>>
    %dma_start3A_27 = arith.constant 128 : i32
    %dma_start3A_28 = tpu.memref_slice %arg6[%dma_start3A_27] : memref<6400xi32, #tpu.memory_space<vmem>> -> memref<128xi32, #tpu.memory_space<vmem>>
    %dma_start3A_29 = arith.constant 0 : i32
    %dma_start3A_30 = arith.constant 0 : i32
    %dma_start3A_31 = tpu.memref_slice %arg8[%dma_start3A_29, %dma_start3A_30] : memref<1000x128xf32, #tpu.memory_space<vmem_shared>> -> memref<1000x128xf32, #tpu.memory_space<vmem_shared>>
    tpu.enqueue_indirect_dma source(%dma_start3A_31 : memref<1000x128xf32, #tpu.memory_space<vmem_shared>>) target(%dma_start3A_26 : memref<128x128xf32, #tpu.memory_space<vmem>>) offsets(%dma_start3A_28 : memref<128xi32, #tpu.memory_space<vmem>>) semaphore(%arg10 : memref<!tpu.dma_semaphore, #tpu.memory_space<semaphore_mem>>)
    %scan3A_32 = arith.constant 16 : i32
    %scan3A_33 = arith.constant 384 : i32
    %scan3A_34 = arith.addi %scan3A_32, %scan3A_33 : i32
    %scan3A_35 = arith.constant 8 : i32
    %scan3A_36 = scf.for %scan3A_70 = %scan3A_32 to %scan3A_34 step %scan3A_35 iter_args(%scan3A_71 = %scan3A_10) -> (vector<16xi32>)  : i32 {
      %mul3A_72 = arith.constant 16 : i32
      %mul3A_73 = arith.muli %scan3A_70, %mul3A_72 : i32
      %get3A = arith.index_cast %mul3A_73 : i32 to index
      %get3A_74 = tpu.vector_load %arg5[%get3A] {strides = array<i32>} : memref<6400xi32, #tpu.memory_space<vmem>>, vector<16xi32>,
      %get3A_75 = vector.shape_cast %get3A_74 : vector<16xi32> to vector<16xi32>
      %mul3A_76 = arith.constant 200 : i32
      %mul3A_77 = vector.broadcast %mul3A_76 : i32 to vector<16xi32>
      %mul3A_78 = arith.muli %get3A_75, %mul3A_77 : vector<16xi32>
      %add3A_79 = arith.addi %mul3A_78, %scan3A_71 : vector<16xi32>
      %swap3A = arith.index_cast %mul3A_73 : i32 to index
      %swap3A_80 = tpu.vector_load %arg6[%swap3A] {strides = array<i32>} : memref<6400xi32, #tpu.memory_space<vmem>>, vector<16xi32>,
      %swap3A_81 = vector.shape_cast %swap3A_80 : vector<16xi32> to vector<16xi32>
      %swap3A_82 = vector.shape_cast %add3A_79 : vector<16xi32> to vector<16xi32>
      tpu.vector_store %arg6[%swap3A], %swap3A_82 {strides = array<i32>} : memref<6400xi32, #tpu.memory_space<vmem>>, vector<16xi32>,
      %add3A_83 = arith.constant 16 : i32
      %add3A_84 = vector.broadcast %add3A_83 : i32 to vector<16xi32>
      %add3A_85 = arith.addi %scan3A_71, %add3A_84 : vector<16xi32>
      %ge3A = arith.constant 200 : i32
      %ge3A_86 = vector.broadcast %ge3A : i32 to vector<16xi32>
      %ge3A_87 = arith.cmpi sge, %add3A_85, %ge3A_86 : vector<16xi32>
      %sub3A = arith.constant 200 : i32
      %sub3A_88 = vector.broadcast %sub3A : i32 to vector<16xi32>
      %sub3A_89 = arith.subi %add3A_85, %sub3A_88 : vector<16xi32>
      %select_n3A = arith.select %ge3A_87, %sub3A_89, %add3A_85 : vector<16xi1>, vector<16xi32>
      %scan3A_90 = arith.constant 1 : i32
      %scan3A_91 = arith.addi %scan3A_70, %scan3A_90 : i32
      %mul3A_92 = arith.constant 16 : i32
      %mul3A_93 = arith.muli %scan3A_91, %mul3A_92 : i32
      %get3A_94 = arith.index_cast %mul3A_93 : i32 to index
      %get3A_95 = tpu.vector_load %arg5[%get3A_94] {strides = array<i32>} : memref<6400xi32, #tpu.memory_space<vmem>>, vector<16xi32>,
      %get3A_96 = vector.shape_cast %get3A_95 : vector<16xi32> to vector<16xi32>
      %mul3A_97 = arith.constant 200 : i32
      %mul3A_98 = vector.broadcast %mul3A_97 : i32 to vector<16xi32>
      %mul3A_99 = arith.muli %get3A_96, %mul3A_98 : vector<16xi32>
      %add3A_100 = arith.addi %mul3A_99, %select_n3A : vector<16xi32>
      %swap3A_101 = arith.index_cast %mul3A_93 : i32 to index
      %swap3A_102 = tpu.vector_load %arg6[%swap3A_101] {strides = array<i32>} : memref<6400xi32, #tpu.memory_space<vmem>>, vector<16xi32>,
      %swap3A_103 = vector.shape_cast %swap3A_102 : vector<16xi32> to vector<16xi32>
      %swap3A_104 = vector.shape_cast %add3A_100 : vector<16xi32> to vector<16xi32>
      tpu.vector_store %arg6[%swap3A_101], %swap3A_104 {strides = array<i32>} : memref<6400xi32, #tpu.memory_space<vmem>>, vector<16xi32>,
      %add3A_105 = arith.constant 16 : i32
      %add3A_106 = vector.broadcast %add3A_105 : i32 to vector<16xi32>
      %add3A_107 = arith.addi %select_n3A, %add3A_106 : vector<16xi32>
      %ge3A_108 = arith.constant 200 : i32
      %ge3A_109 = vector.broadcast %ge3A_108 : i32 to vector<16xi32>
      %ge3A_110 = arith.cmpi sge, %add3A_107, %ge3A_109 : vector<16xi32>
      %sub3A_111 = arith.constant 200 : i32
      %sub3A_112 = vector.broadcast %sub3A_111 : i32 to vector<16xi32>
      %sub3A_113 = arith.subi %add3A_107, %sub3A_112 : vector<16xi32>
      %select_n3A_114 = arith.select %ge3A_110, %sub3A_113, %add3A_107 : vector<16xi1>, vector<16xi32>
      %scan3A_115 = arith.constant 2 : i32
      %scan3A_116 = arith.addi %scan3A_70, %scan3A_115 : i32
      %mul3A_117 = arith.constant 16 : i32
      %mul3A_118 = arith.muli %scan3A_116, %mul3A_117 : i32
      %get3A_119 = arith.index_cast %mul3A_118 : i32 to index
      %get3A_120 = tpu.vector_load %arg5[%get3A_119] {strides = array<i32>} : memref<6400xi32, #tpu.memory_space<vmem>>, vector<16xi32>,
      %get3A_121 = vector.shape_cast %get3A_120 : vector<16xi32> to vector<16xi32>
      %mul3A_122 = arith.constant 200 : i32
      %mul3A_123 = vector.broadcast %mul3A_122 : i32 to vector<16xi32>
      %mul3A_124 = arith.muli %get3A_121, %mul3A_123 : vector<16xi32>
      %add3A_125 = arith.addi %mul3A_124, %select_n3A_114 : vector<16xi32>
      %swap3A_126 = arith.index_cast %mul3A_118 : i32 to index
      %swap3A_127 = tpu.vector_load %arg6[%swap3A_126] {strides = array<i32>} : memref<6400xi32, #tpu.memory_space<vmem>>, vector<16xi32>,
      %swap3A_128 = vector.shape_cast %swap3A_127 : vector<16xi32> to vector<16xi32>
      %swap3A_129 = vector.shape_cast %add3A_125 : vector<16xi32> to vector<16xi32>
      tpu.vector_store %arg6[%swap3A_126], %swap3A_129 {strides = array<i32>} : memref<6400xi32, #tpu.memory_space<vmem>>, vector<16xi32>,
      %add3A_130 = arith.constant 16 : i32
      %add3A_131 = vector.broadcast %add3A_130 : i32 to vector<16xi32>
      %add3A_132 = arith.addi %select_n3A_114, %add3A_131 : vector<16xi32>
      %ge3A_133 = arith.constant 200 : i32
      %ge3A_134 = vector.broadcast %ge3A_133 : i32 to vector<16xi32>
      %ge3A_135 = arith.cmpi sge, %add3A_132, %ge3A_134 : vector<16xi32>
      %sub3A_136 = arith.constant 200 : i32
      %sub3A_137 = vector.broadcast %sub3A_136 : i32 to vector<16xi32>
      %sub3A_138 = arith.subi %add3A_132, %sub3A_137 : vector<16xi32>
      %select_n3A_139 = arith.select %ge3A_135, %sub3A_138, %add3A_132 : vector<16xi1>, vector<16xi32>
      %scan3A_140 = arith.constant 3 : i32
      %scan3A_141 = arith.addi %scan3A_70, %scan3A_140 : i32
      %mul3A_142 = arith.constant 16 : i32
      %mul3A_143 = arith.muli %scan3A_141, %mul3A_142 : i32
      %get3A_144 = arith.index_cast %mul3A_143 : i32 to index
      %get3A_145 = tpu.vector_load %arg5[%get3A_144] {strides = array<i32>} : memref<6400xi32, #tpu.memory_space<vmem>>, vector<16xi32>,
      %get3A_146 = vector.shape_cast %get3A_145 : vector<16xi32> to vector<16xi32>
      %mul3A_147 = arith.constant 200 : i32
      %mul3A_148 = vector.broadcast %mul3A_147 : i32 to vector<16xi32>
      %mul3A_149 = arith.muli %get3A_146, %mul3A_148 : vector<16xi32>
      %add3A_150 = arith.addi %mul3A_149, %select_n3A_139 : vector<16xi32>
      %swap3A_151 = arith.index_cast %mul3A_143 : i32 to index
      %swap3A_152 = tpu.vector_load %arg6[%swap3A_151] {strides = array<i32>} : memref<6400xi32, #tpu.memory_space<vmem>>, vector<16xi32>,
      %swap3A_153 = vector.shape_cast %swap3A_152 : vector<16xi32> to vector<16xi32>
      %swap3A_154 = vector.shape_cast %add3A_150 : vector<16xi32> to vector<16xi32>
      tpu.vector_store %arg6[%swap3A_151], %swap3A_154 {strides = array<i32>} : memref<6400xi32, #tpu.memory_space<vmem>>, vector<16xi32>,
      %add3A_155 = arith.constant 16 : i32
      %add3A_156 = vector.broadcast %add3A_155 : i32 to vector<16xi32>
      %add3A_157 = arith.addi %select_n3A_139, %add3A_156 : vector<16xi32>
      %ge3A_158 = arith.constant 200 : i32
      %ge3A_159 = vector.broadcast %ge3A_158 : i32 to vector<16xi32>
      %ge3A_160 = arith.cmpi sge, %add3A_157, %ge3A_159 : vector<16xi32>
      %sub3A_161 = arith.constant 200 : i32
      %sub3A_162 = vector.broadcast %sub3A_161 : i32 to vector<16xi32>
      %sub3A_163 = arith.subi %add3A_157, %sub3A_162 : vector<16xi32>
      %select_n3A_164 = arith.select %ge3A_160, %sub3A_163, %add3A_157 : vector<16xi1>, vector<16xi32>
      %scan3A_165 = arith.constant 4 : i32
      %scan3A_166 = arith.addi %scan3A_70, %scan3A_165 : i32
      %mul3A_167 = arith.constant 16 : i32
      %mul3A_168 = arith.muli %scan3A_166, %mul3A_167 : i32
      %get3A_169 = arith.index_cast %mul3A_168 : i32 to index
      %get3A_170 = tpu.vector_load %arg5[%get3A_169] {strides = array<i32>} : memref<6400xi32, #tpu.memory_space<vmem>>, vector<16xi32>,
      %get3A_171 = vector.shape_cast %get3A_170 : vector<16xi32> to vector<16xi32>
      %mul3A_172 = arith.constant 200 : i32
      %mul3A_173 = vector.broadcast %mul3A_172 : i32 to vector<16xi32>
      %mul3A_174 = arith.muli %get3A_171, %mul3A_173 : vector<16xi32>
      %add3A_175 = arith.addi %mul3A_174, %select_n3A_164 : vector<16xi32>
      %swap3A_176 = arith.index_cast %mul3A_168 : i32 to index
      %swap3A_177 = tpu.vector_load %arg6[%swap3A_176] {strides = array<i32>} : memref<6400xi32, #tpu.memory_space<vmem>>, vector<16xi32>,
      %swap3A_178 = vector.shape_cast %swap3A_177 : vector<16xi32> to vector<16xi32>
      %swap3A_179 = vector.shape_cast %add3A_175 : vector<16xi32> to vector<16xi32>
      tpu.vector_store %arg6[%swap3A_176], %swap3A_179 {strides = array<i32>} : memref<6400xi32, #tpu.memory_space<vmem>>, vector<16xi32>,
      %add3A_180 = arith.constant 16 : i32
      %add3A_181 = vector.broadcast %add3A_180 : i32 to vector<16xi32>
      %add3A_182 = arith.addi %select_n3A_164, %add3A_181 : vector<16xi32>
      %ge3A_183 = arith.constant 200 : i32
      %ge3A_184 = vector.broadcast %ge3A_183 : i32 to vector<16xi32>
      %ge3A_185 = arith.cmpi sge, %add3A_182, %ge3A_184 : vector<16xi32>
      %sub3A_186 = arith.constant 200 : i32
      %sub3A_187 = vector.broadcast %sub3A_186 : i32 to vector<16xi32>
      %sub3A_188 = arith.subi %add3A_182, %sub3A_187 : vector<16xi32>
      %select_n3A_189 = arith.select %ge3A_185, %sub3A_188, %add3A_182 : vector<16xi1>, vector<16xi32>
      %scan3A_190 = arith.constant 5 : i32
      %scan3A_191 = arith.addi %scan3A_70, %scan3A_190 : i32
      %mul3A_192 = arith.constant 16 : i32
      %mul3A_193 = arith.muli %scan3A_191, %mul3A_192 : i32
      %get3A_194 = arith.index_cast %mul3A_193 : i32 to index
      %get3A_195 = tpu.vector_load %arg5[%get3A_194] {strides = array<i32>} : memref<6400xi32, #tpu.memory_space<vmem>>, vector<16xi32>,
      %get3A_196 = vector.shape_cast %get3A_195 : vector<16xi32> to vector<16xi32>
      %mul3A_197 = arith.constant 200 : i32
      %mul3A_198 = vector.broadcast %mul3A_197 : i32 to vector<16xi32>
      %mul3A_199 = arith.muli %get3A_196, %mul3A_198 : vector<16xi32>
      %add3A_200 = arith.addi %mul3A_199, %select_n3A_189 : vector<16xi32>
      %swap3A_201 = arith.index_cast %mul3A_193 : i32 to index
      %swap3A_202 = tpu.vector_load %arg6[%swap3A_201] {strides = array<i32>} : memref<6400xi32, #tpu.memory_space<vmem>>, vector<16xi32>,
      %swap3A_203 = vector.shape_cast %swap3A_202 : vector<16xi32> to vector<16xi32>
      %swap3A_204 = vector.shape_cast %add3A_200 : vector<16xi32> to vector<16xi32>
      tpu.vector_store %arg6[%swap3A_201], %swap3A_204 {strides = array<i32>} : memref<6400xi32, #tpu.memory_space<vmem>>, vector<16xi32>,
      %add3A_205 = arith.constant 16 : i32
      %add3A_206 = vector.broadcast %add3A_205 : i32 to vector<16xi32>
      %add3A_207 = arith.addi %select_n3A_189, %add3A_206 : vector<16xi32>
      %ge3A_208 = arith.constant 200 : i32
      %ge3A_209 = vector.broadcast %ge3A_208 : i32 to vector<16xi32>
      %ge3A_210 = arith.cmpi sge, %add3A_207, %ge3A_209 : vector<16xi32>
      %sub3A_211 = arith.constant 200 : i32
      %sub3A_212 = vector.broadcast %sub3A_211 : i32 to vector<16xi32>
      %sub3A_213 = arith.subi %add3A_207, %sub3A_212 : vector<16xi32>
      %select_n3A_214 = arith.select %ge3A_210, %sub3A_213, %add3A_207 : vector<16xi1>, vector<16xi32>
      %scan3A_215 = arith.constant 6 : i32
      %scan3A_216 = arith.addi %scan3A_70, %scan3A_215 : i32
      %mul3A_217 = arith.constant 16 : i32
      %mul3A_218 = arith.muli %scan3A_216, %mul3A_217 : i32
      %get3A_219 = arith.index_cast %mul3A_218 : i32 to index
      %get3A_220 = tpu.vector_load %arg5[%get3A_219] {strides = array<i32>} : memref<6400xi32, #tpu.memory_space<vmem>>, vector<16xi32>,
      %get3A_221 = vector.shape_cast %get3A_220 : vector<16xi32> to vector<16xi32>
      %mul3A_222 = arith.constant 200 : i32
      %mul3A_223 = vector.broadcast %mul3A_222 : i32 to vector<16xi32>
      %mul3A_224 = arith.muli %get3A_221, %mul3A_223 : vector<16xi32>
      %add3A_225 = arith.addi %mul3A_224, %select_n3A_214 : vector<16xi32>
      %swap3A_226 = arith.index_cast %mul3A_218 : i32 to index
      %swap3A_227 = tpu.vector_load %arg6[%swap3A_226] {strides = array<i32>} : memref<6400xi32, #tpu.memory_space<vmem>>, vector<16xi32>,
      %swap3A_228 = vector.shape_cast %swap3A_227 : vector<16xi32> to vector<16xi32>
      %swap3A_229 = vector.shape_cast %add3A_225 : vector<16xi32> to vector<16xi32>
      tpu.vector_store %arg6[%swap3A_226], %swap3A_229 {strides = array<i32>} : memref<6400xi32, #tpu.memory_space<vmem>>, vector<16xi32>,
      %add3A_230 = arith.constant 16 : i32
      %add3A_231 = vector.broadcast %add3A_230 : i32 to vector<16xi32>
      %add3A_232 = arith.addi %select_n3A_214, %add3A_231 : vector<16xi32>
      %ge3A_233 = arith.constant 200 : i32
      %ge3A_234 = vector.broadcast %ge3A_233 : i32 to vector<16xi32>
      %ge3A_235 = arith.cmpi sge, %add3A_232, %ge3A_234 : vector<16xi32>
      %sub3A_236 = arith.constant 200 : i32
      %sub3A_237 = vector.broadcast %sub3A_236 : i32 to vector<16xi32>
      %sub3A_238 = arith.subi %add3A_232, %sub3A_237 : vector<16xi32>
      %select_n3A_239 = arith.select %ge3A_235, %sub3A_238, %add3A_232 : vector<16xi1>, vector<16xi32>
      %scan3A_240 = arith.constant 7 : i32
      %scan3A_241 = arith.addi %scan3A_70, %scan3A_240 : i32
      %mul3A_242 = arith.constant 16 : i32
      %mul3A_243 = arith.muli %scan3A_241, %mul3A_242 : i32
      %get3A_244 = arith.index_cast %mul3A_243 : i32 to index
      %get3A_245 = tpu.vector_load %arg5[%get3A_244] {strides = array<i32>} : memref<6400xi32, #tpu.memory_space<vmem>>, vector<16xi32>,
      %get3A_246 = vector.shape_cast %get3A_245 : vector<16xi32> to vector<16xi32>
      %mul3A_247 = arith.constant 200 : i32
      %mul3A_248 = vector.broadcast %mul3A_247 : i32 to vector<16xi32>
      %mul3A_249 = arith.muli %get3A_246, %mul3A_248 : vector<16xi32>
      %add3A_250 = arith.addi %mul3A_249, %select_n3A_239 : vector<16xi32>
      %swap3A_251 = arith.index_cast %mul3A_243 : i32 to index
      %swap3A_252 = tpu.vector_load %arg6[%swap3A_251] {strides = array<i32>} : memref<6400xi32, #tpu.memory_space<vmem>>, vector<16xi32>,
      %swap3A_253 = vector.shape_cast %swap3A_252 : vector<16xi32> to vector<16xi32>
      %swap3A_254 = vector.shape_cast %add3A_250 : vector<16xi32> to vector<16xi32>
      tpu.vector_store %arg6[%swap3A_251], %swap3A_254 {strides = array<i32>} : memref<6400xi32, #tpu.memory_space<vmem>>, vector<16xi32>,
      %add3A_255 = arith.constant 16 : i32
      %add3A_256 = vector.broadcast %add3A_255 : i32 to vector<16xi32>
      %add3A_257 = arith.addi %select_n3A_239, %add3A_256 : vector<16xi32>
      %ge3A_258 = arith.constant 200 : i32
      %ge3A_259 = vector.broadcast %ge3A_258 : i32 to vector<16xi32>
      %ge3A_260 = arith.cmpi sge, %add3A_257, %ge3A_259 : vector<16xi32>
      %sub3A_261 = arith.constant 200 : i32
      %sub3A_262 = vector.broadcast %sub3A_261 : i32 to vector<16xi32>
      %sub3A_263 = arith.subi %add3A_257, %sub3A_262 : vector<16xi32>
      %select_n3A_264 = arith.select %ge3A_260, %sub3A_263, %add3A_257 : vector<16xi1>, vector<16xi32>
      scf.yield %select_n3A_264 : vector<16xi32>
    }
    %scan3A_37 = arith.constant 384 : i32
    %scan3A_38 = arith.constant 0 : i32
    %scan3A_39 = arith.constant 0 : i32
    %scan3A_40 = arith.constant 25 : i32
    %scan3A_41 = arith.addi %scan3A_39, %scan3A_40 : i32
    %scan3A_42 = arith.constant 1 : i32
    scf.for %scan3A_70 = %scan3A_39 to %scan3A_41 step %scan3A_42  : i32 {
      %mul3A_71 = arith.constant 2 : i32
      %mul3A_72 = arith.muli %scan3A_70, %mul3A_71 : i32
      %add3A_73 = arith.constant 0 : i32
      %add3A_74 = arith.addi %mul3A_72, %add3A_73 : i32
      %dma_wait3A_75 = arith.constant 0 : i32
      %dma_wait3A_76 = arith.constant 0 : i32
      %dma_wait3A_77 = arith.constant 0 : i32
      %dma_wait3A_78 = tpu.memref_slice %arg7[%dma_wait3A_75, %dma_wait3A_76, %dma_wait3A_77] : memref<2x128x128xf32, #tpu.memory_space<vmem>> -> memref<1x128x128xf32, #tpu.memory_space<vmem>>
      %dma_wait3A_79 = tpu.memref_squeeze %dma_wait3A_78 : memref<1x128x128xf32, #tpu.memory_space<vmem>> -> memref<128x128xf32, #tpu.memory_space<vmem>>
      %dma_wait3A_80 = arith.constant 0 : i32
      %dma_wait3A_81 = tpu.memref_slice %arg6[%dma_wait3A_80] : memref<6400xi32, #tpu.memory_space<vmem>> -> memref<128xi32, #tpu.memory_space<vmem>>
      %dma_wait3A_82 = arith.constant 0 : i32
      %dma_wait3A_83 = arith.constant 0 : i32
      %dma_wait3A_84 = tpu.memref_slice %arg8[%dma_wait3A_82, %dma_wait3A_83] : memref<1000x128xf32, #tpu.memory_space<vmem_shared>> -> memref<1000x128xf32, #tpu.memory_space<vmem_shared>>
      tpu.wait_indirect_dma semaphore(%arg9 : memref<!tpu.dma_semaphore, #tpu.memory_space<semaphore_mem>>) src(%dma_wait3A_84 : memref<1000x128xf32, #tpu.memory_space<vmem_shared>>) dst(%dma_wait3A_79 : memref<128x128xf32, #tpu.memory_space<vmem>>)
      %mul3A_85 = arith.constant 128 : i32
      %mul3A_86 = arith.muli %add3A_74, %mul3A_85 : i32
      %add3A_87 = arith.addi %mul3A_2, %mul3A_86 : i32
      %dma_start3A_88 = arith.constant 0 : i32
      %dma_start3A_89 = arith.constant 0 : i32
      %dma_start3A_90 = arith.constant 0 : i32
      %dma_start3A_91 = tpu.memref_slice %arg7[%dma_start3A_88, %dma_start3A_89, %dma_start3A_90] : memref<2x128x128xf32, #tpu.memory_space<vmem>> -> memref<1x128x128xf32, #tpu.memory_space<vmem>>
      %dma_start3A_92 = tpu.memref_squeeze %dma_start3A_91 : memref<1x128x128xf32, #tpu.memory_space<vmem>> -> memref<128x128xf32, #tpu.memory_space<vmem>>
      %dma_start3A_93 = arith.constant 0 : i32
      %dma_start3A_94 = tpu.memref_slice %arg4[%add3A_87, %dma_start3A_93] : memref<204800x128xf32, #tpu.memory_space<hbm>> -> memref<128x128xf32, #tpu.memory_space<hbm>>
      %dma_start3A_95 = arith.constant 0 : i32
      %dma_start3A_96 = tpu.memref_slice %arg4[%add3A_87, %dma_start3A_95] : memref<204800x128xf32, #tpu.memory_space<hbm>> -> memref<128x128xf32, #tpu.memory_space<hbm>>
      %dma_start3A_97 = arith.constant 0 : i32
      %dma_start3A_98 = arith.constant 0 : i32
      %dma_start3A_99 = tpu.memref_slice %arg7[%dma_start3A_88, %dma_start3A_97, %dma_start3A_98] : memref<2x128x128xf32, #tpu.memory_space<vmem>> -> memref<1x128x128xf32, #tpu.memory_space<vmem>>
      %dma_start3A_100 = tpu.memref_squeeze %dma_start3A_99 : memref<1x128x128xf32, #tpu.memory_space<vmem>> -> memref<128x128xf32, #tpu.memory_space<vmem>>
      tpu.enqueue_dma source(%dma_start3A_100 : memref<128x128xf32, #tpu.memory_space<vmem>>) target(%dma_start3A_96 : memref<128x128xf32, #tpu.memory_space<hbm>>) target_semaphore(%arg11 : memref<!tpu.dma_semaphore, #tpu.memory_space<semaphore_mem>>)
      %add3A_101 = arith.constant 2 : i32
      %add3A_102 = arith.addi %add3A_74, %add3A_101 : i32
      %lt3A = arith.constant 50 : i32
      %lt3A_103 = arith.cmpi slt, %add3A_102, %lt3A : i32
      %convert_element_type3A_104 = arith.extui %lt3A_103 : i1 to i32
      %cond3A_105 = arith.constant 0 : i32
      %cond3A_106 = arith.cmpi ne, %convert_element_type3A_104, %cond3A_105 : i32
      scf.if %cond3A_106 {
        %dma_wait3A_144 = arith.constant 0 : i32
        %dma_wait3A_145 = arith.constant 0 : i32
        %dma_wait3A_146 = arith.constant 0 : i32
        %dma_wait3A_147 = tpu.memref_slice %arg7[%dma_wait3A_144, %dma_wait3A_145, %dma_wait3A_146] : memref<2x128x128xf32, #tpu.memory_space<vmem>> -> memref<1x128x128xf32, #tpu.memory_space<vmem>>
        %dma_wait3A_148 = tpu.memref_squeeze %dma_wait3A_147 : memref<1x128x128xf32, #tpu.memory_space<vmem>> -> memref<128x128xf32, #tpu.memory_space<vmem>>
        %dma_wait3A_149 = arith.constant 0 : i32
        %dma_wait3A_150 = tpu.memref_slice %arg4[%mul3A_2, %dma_wait3A_149] : memref<204800x128xf32, #tpu.memory_space<hbm>> -> memref<128x128xf32, #tpu.memory_space<hbm>>
        %dma_wait3A_151 = arith.constant 0 : i32
        %dma_wait3A_152 = tpu.memref_slice %arg4[%mul3A_2, %dma_wait3A_151] : memref<204800x128xf32, #tpu.memory_space<hbm>> -> memref<128x128xf32, #tpu.memory_space<hbm>>
        %dma_wait3A_153 = arith.constant 0 : i32
        %dma_wait3A_154 = arith.constant 0 : i32
        %dma_wait3A_155 = tpu.memref_slice %arg7[%dma_wait3A_144, %dma_wait3A_153, %dma_wait3A_154] : memref<2x128x128xf32, #tpu.memory_space<vmem>> -> memref<1x128x128xf32, #tpu.memory_space<vmem>>
        %dma_wait3A_156 = tpu.memref_squeeze %dma_wait3A_155 : memref<1x128x128xf32, #tpu.memory_space<vmem>> -> memref<128x128xf32, #tpu.memory_space<vmem>>
        tpu.wait_dma2 semaphore(%arg11 : memref<!tpu.dma_semaphore, #tpu.memory_space<semaphore_mem>>) src(%dma_wait3A_156 : memref<128x128xf32, #tpu.memory_space<vmem>>) dst(%dma_wait3A_152 : memref<128x128xf32, #tpu.memory_space<hbm>>)
        %add3A_157 = arith.constant 2 : i32
        %add3A_158 = arith.addi %add3A_74, %add3A_157 : i32
        %mul3A_159 = arith.constant 128 : i32
        %mul3A_160 = arith.muli %add3A_158, %mul3A_159 : i32
        %dma_start3A_161 = arith.constant 0 : i32
        %dma_start3A_162 = arith.constant 0 : i32
        %dma_start3A_163 = arith.constant 0 : i32
        %dma_start3A_164 = tpu.memref_slice %arg7[%dma_start3A_161, %dma_start3A_162, %dma_start3A_163] : memref<2x128x128xf32, #tpu.memory_space<vmem>> -> memref<1x128x128xf32, #tpu.memory_space<vmem>>
        %dma_start3A_165 = tpu.memref_squeeze %dma_start3A_164 : memref<1x128x128xf32, #tpu.memory_space<vmem>> -> memref<128x128xf32, #tpu.memory_space<vmem>>
        %dma_start3A_166 = tpu.memref_slice %arg6[%mul3A_160] : memref<6400xi32, #tpu.memory_space<vmem>> -> memref<128xi32, #tpu.memory_space<vmem>>
        %dma_start3A_167 = arith.constant 0 : i32
        %dma_start3A_168 = arith.constant 0 : i32
        %dma_start3A_169 = tpu.memref_slice %arg8[%dma_start3A_167, %dma_start3A_168] : memref<1000x128xf32, #tpu.memory_space<vmem_shared>> -> memref<1000x128xf32, #tpu.memory_space<vmem_shared>>
        tpu.enqueue_indirect_dma source(%dma_start3A_169 : memref<1000x128xf32, #tpu.memory_space<vmem_shared>>) target(%dma_start3A_165 : memref<128x128xf32, #tpu.memory_space<vmem>>) offsets(%dma_start3A_166 : memref<128xi32, #tpu.memory_space<vmem>>) semaphore(%arg9 : memref<!tpu.dma_semaphore, #tpu.memory_space<semaphore_mem>>)
      } else {
      }
      %mul3A_107 = arith.constant 2 : i32
      %mul3A_108 = arith.muli %scan3A_70, %mul3A_107 : i32
      %add3A_109 = arith.constant 1 : i32
      %add3A_110 = arith.addi %mul3A_108, %add3A_109 : i32
      %dma_wait3A_111 = arith.constant 1 : i32
      %dma_wait3A_112 = arith.constant 0 : i32
      %dma_wait3A_113 = arith.constant 0 : i32
      %dma_wait3A_114 = tpu.memref_slice %arg7[%dma_wait3A_111, %dma_wait3A_112, %dma_wait3A_113] : memref<2x128x128xf32, #tpu.memory_space<vmem>> -> memref<1x128x128xf32, #tpu.memory_space<vmem>>
      %dma_wait3A_115 = tpu.memref_squeeze %dma_wait3A_114 : memref<1x128x128xf32, #tpu.memory_space<vmem>> -> memref<128x128xf32, #tpu.memory_space<vmem>>
      %dma_wait3A_116 = arith.constant 0 : i32
      %dma_wait3A_117 = tpu.memref_slice %arg6[%dma_wait3A_116] : memref<6400xi32, #tpu.memory_space<vmem>> -> memref<128xi32, #tpu.memory_space<vmem>>
      %dma_wait3A_118 = arith.constant 0 : i32
      %dma_wait3A_119 = arith.constant 0 : i32
      %dma_wait3A_120 = tpu.memref_slice %arg8[%dma_wait3A_118, %dma_wait3A_119] : memref<1000x128xf32, #tpu.memory_space<vmem_shared>> -> memref<1000x128xf32, #tpu.memory_space<vmem_shared>>
      tpu.wait_indirect_dma semaphore(%arg10 : memref<!tpu.dma_semaphore, #tpu.memory_space<semaphore_mem>>) src(%dma_wait3A_120 : memref<1000x128xf32, #tpu.memory_space<vmem_shared>>) dst(%dma_wait3A_115 : memref<128x128xf32, #tpu.memory_space<vmem>>)
      %mul3A_121 = arith.constant 128 : i32
      %mul3A_122 = arith.muli %add3A_110, %mul3A_121 : i32
      %add3A_123 = arith.addi %mul3A_2, %mul3A_122 : i32
      %dma_start3A_124 = arith.constant 1 : i32
      %dma_start3A_125 = arith.constant 0 : i32
      %dma_start3A_126 = arith.constant 0 : i32
      %dma_start3A_127 = tpu.memref_slice %arg7[%dma_start3A_124, %dma_start3A_125, %dma_start3A_126] : memref<2x128x128xf32, #tpu.memory_space<vmem>> -> memref<1x128x128xf32, #tpu.memory_space<vmem>>
      %dma_start3A_128 = tpu.memref_squeeze %dma_start3A_127 : memref<1x128x128xf32, #tpu.memory_space<vmem>> -> memref<128x128xf32, #tpu.memory_space<vmem>>
      %dma_start3A_129 = arith.constant 0 : i32
      %dma_start3A_130 = tpu.memref_slice %arg4[%add3A_123, %dma_start3A_129] : memref<204800x128xf32, #tpu.memory_space<hbm>> -> memref<128x128xf32, #tpu.memory_space<hbm>>
      %dma_start3A_131 = arith.constant 0 : i32
      %dma_start3A_132 = tpu.memref_slice %arg4[%add3A_123, %dma_start3A_131] : memref<204800x128xf32, #tpu.memory_space<hbm>> -> memref<128x128xf32, #tpu.memory_space<hbm>>
      %dma_start3A_133 = arith.constant 0 : i32
      %dma_start3A_134 = arith.constant 0 : i32
      %dma_start3A_135 = tpu.memref_slice %arg7[%dma_start3A_124, %dma_start3A_133, %dma_start3A_134] : memref<2x128x128xf32, #tpu.memory_space<vmem>> -> memref<1x128x128xf32, #tpu.memory_space<vmem>>
      %dma_start3A_136 = tpu.memref_squeeze %dma_start3A_135 : memref<1x128x128xf32, #tpu.memory_space<vmem>> -> memref<128x128xf32, #tpu.memory_space<vmem>>
      tpu.enqueue_dma source(%dma_start3A_136 : memref<128x128xf32, #tpu.memory_space<vmem>>) target(%dma_start3A_132 : memref<128x128xf32, #tpu.memory_space<hbm>>) target_semaphore(%arg12 : memref<!tpu.dma_semaphore, #tpu.memory_space<semaphore_mem>>)
      %add3A_137 = arith.constant 2 : i32
      %add3A_138 = arith.addi %add3A_110, %add3A_137 : i32
      %lt3A_139 = arith.constant 50 : i32
      %lt3A_140 = arith.cmpi slt, %add3A_138, %lt3A_139 : i32
      %convert_element_type3A_141 = arith.extui %lt3A_140 : i1 to i32
      %cond3A_142 = arith.constant 0 : i32
      %cond3A_143 = arith.cmpi ne, %convert_element_type3A_141, %cond3A_142 : i32
      scf.if %cond3A_143 {
        %dma_wait3A_144 = arith.constant 1 : i32
        %dma_wait3A_145 = arith.constant 0 : i32
        %dma_wait3A_146 = arith.constant 0 : i32
        %dma_wait3A_147 = tpu.memref_slice %arg7[%dma_wait3A_144, %dma_wait3A_145, %dma_wait3A_146] : memref<2x128x128xf32, #tpu.memory_space<vmem>> -> memref<1x128x128xf32, #tpu.memory_space<vmem>>
        %dma_wait3A_148 = tpu.memref_squeeze %dma_wait3A_147 : memref<1x128x128xf32, #tpu.memory_space<vmem>> -> memref<128x128xf32, #tpu.memory_space<vmem>>
        %dma_wait3A_149 = arith.constant 0 : i32
        %dma_wait3A_150 = tpu.memref_slice %arg4[%mul3A_2, %dma_wait3A_149] : memref<204800x128xf32, #tpu.memory_space<hbm>> -> memref<128x128xf32, #tpu.memory_space<hbm>>
        %dma_wait3A_151 = arith.constant 0 : i32
        %dma_wait3A_152 = tpu.memref_slice %arg4[%mul3A_2, %dma_wait3A_151] : memref<204800x128xf32, #tpu.memory_space<hbm>> -> memref<128x128xf32, #tpu.memory_space<hbm>>
        %dma_wait3A_153 = arith.constant 0 : i32
        %dma_wait3A_154 = arith.constant 0 : i32
        %dma_wait3A_155 = tpu.memref_slice %arg7[%dma_wait3A_144, %dma_wait3A_153, %dma_wait3A_154] : memref<2x128x128xf32, #tpu.memory_space<vmem>> -> memref<1x128x128xf32, #tpu.memory_space<vmem>>
        %dma_wait3A_156 = tpu.memref_squeeze %dma_wait3A_155 : memref<1x128x128xf32, #tpu.memory_space<vmem>> -> memref<128x128xf32, #tpu.memory_space<vmem>>
        tpu.wait_dma2 semaphore(%arg12 : memref<!tpu.dma_semaphore, #tpu.memory_space<semaphore_mem>>) src(%dma_wait3A_156 : memref<128x128xf32, #tpu.memory_space<vmem>>) dst(%dma_wait3A_152 : memref<128x128xf32, #tpu.memory_space<hbm>>)
        %add3A_157 = arith.constant 2 : i32
        %add3A_158 = arith.addi %add3A_110, %add3A_157 : i32
        %mul3A_159 = arith.constant 128 : i32
        %mul3A_160 = arith.muli %add3A_158, %mul3A_159 : i32
        %dma_start3A_161 = arith.constant 1 : i32
        %dma_start3A_162 = arith.constant 0 : i32
        %dma_start3A_163 = arith.constant 0 : i32
        %dma_start3A_164 = tpu.memref_slice %arg7[%dma_start3A_161, %dma_start3A_162, %dma_start3A_163] : memref<2x128x128xf32, #tpu.memory_space<vmem>> -> memref<1x128x128xf32, #tpu.memory_space<vmem>>
        %dma_start3A_165 = tpu.memref_squeeze %dma_start3A_164 : memref<1x128x128xf32, #tpu.memory_space<vmem>> -> memref<128x128xf32, #tpu.memory_space<vmem>>
        %dma_start3A_166 = tpu.memref_slice %arg6[%mul3A_160] : memref<6400xi32, #tpu.memory_space<vmem>> -> memref<128xi32, #tpu.memory_space<vmem>>
        %dma_start3A_167 = arith.constant 0 : i32
        %dma_start3A_168 = arith.constant 0 : i32
        %dma_start3A_169 = tpu.memref_slice %arg8[%dma_start3A_167, %dma_start3A_168] : memref<1000x128xf32, #tpu.memory_space<vmem_shared>> -> memref<1000x128xf32, #tpu.memory_space<vmem_shared>>
        tpu.enqueue_indirect_dma source(%dma_start3A_169 : memref<1000x128xf32, #tpu.memory_space<vmem_shared>>) target(%dma_start3A_165 : memref<128x128xf32, #tpu.memory_space<vmem>>) offsets(%dma_start3A_166 : memref<128xi32, #tpu.memory_space<vmem>>) semaphore(%arg10 : memref<!tpu.dma_semaphore, #tpu.memory_space<semaphore_mem>>)
      } else {
      }
    }
    %scan3A_43 = arith.constant 25 : i32
    %dma_wait3A_44 = arith.constant 0 : i32
    %dma_wait3A_45 = arith.constant 0 : i32
    %dma_wait3A_46 = arith.constant 0 : i32
    %dma_wait3A_47 = tpu.memref_slice %arg7[%dma_wait3A_44, %dma_wait3A_45, %dma_wait3A_46] : memref<2x128x128xf32, #tpu.memory_space<vmem>> -> memref<1x128x128xf32, #tpu.memory_space<vmem>>
    %dma_wait3A_48 = tpu.memref_squeeze %dma_wait3A_47 : memref<1x128x128xf32, #tpu.memory_space<vmem>> -> memref<128x128xf32, #tpu.memory_space<vmem>>
    %dma_wait3A_49 = arith.constant 0 : i32
    %dma_wait3A_50 = tpu.memref_slice %arg4[%mul3A_2, %dma_wait3A_49] : memref<204800x128xf32, #tpu.memory_space<hbm>> -> memref<128x128xf32, #tpu.memory_space<hbm>>
    %dma_wait3A_51 = arith.constant 0 : i32
    %dma_wait3A_52 = tpu.memref_slice %arg4[%mul3A_2, %dma_wait3A_51] : memref<204800x128xf32, #tpu.memory_space<hbm>> -> memref<128x128xf32, #tpu.memory_space<hbm>>
    %dma_wait3A_53 = arith.constant 0 : i32
    %dma_wait3A_54 = arith.constant 0 : i32
    %dma_wait3A_55 = tpu.memref_slice %arg7[%dma_wait3A_44, %dma_wait3A_53, %dma_wait3A_54] : memref<2x128x128xf32, #tpu.memory_space<vmem>> -> memref<1x128x128xf32, #tpu.memory_space<vmem>>
    %dma_wait3A_56 = tpu.memref_squeeze %dma_wait3A_55 : memref<1x128x128xf32, #tpu.memory_space<vmem>> -> memref<128x128xf32, #tpu.memory_space<vmem>>
    tpu.wait_dma2 semaphore(%arg11 : memref<!tpu.dma_semaphore, #tpu.memory_space<semaphore_mem>>) src(%dma_wait3A_56 : memref<128x128xf32, #tpu.memory_space<vmem>>) dst(%dma_wait3A_52 : memref<128x128xf32, #tpu.memory_space<hbm>>)
    %dma_wait3A_57 = arith.constant 1 : i32
    %dma_wait3A_58 = arith.constant 0 : i32
    %dma_wait3A_59 = arith.constant 0 : i32
    %dma_wait3A_60 = tpu.memref_slice %arg7[%dma_wait3A_57, %dma_wait3A_58, %dma_wait3A_59] : memref<2x128x128xf32, #tpu.memory_space<vmem>> -> memref<1x128x128xf32, #tpu.memory_space<vmem>>
    %dma_wait3A_61 = tpu.memref_squeeze %dma_wait3A_60 : memref<1x128x128xf32, #tpu.memory_space<vmem>> -> memref<128x128xf32, #tpu.memory_space<vmem>>
    %dma_wait3A_62 = arith.constant 0 : i32
    %dma_wait3A_63 = tpu.memref_slice %arg4[%mul3A_2, %dma_wait3A_62] : memref<204800x128xf32, #tpu.memory_space<hbm>> -> memref<128x128xf32, #tpu.memory_space<hbm>>
    %dma_wait3A_64 = arith.constant 0 : i32
    %dma_wait3A_65 = tpu.memref_slice %arg4[%mul3A_2, %dma_wait3A_64] : memref<204800x128xf32, #tpu.memory_space<hbm>> -> memref<128x128xf32, #tpu.memory_space<hbm>>
    %dma_wait3A_66 = arith.constant 0 : i32
    %dma_wait3A_67 = arith.constant 0 : i32
    %dma_wait3A_68 = tpu.memref_slice %arg7[%dma_wait3A_57, %dma_wait3A_66, %dma_wait3A_67] : memref<2x128x128xf32, #tpu.memory_space<vmem>> -> memref<1x128x128xf32, #tpu.memory_space<vmem>>
    %dma_wait3A_69 = tpu.memref_squeeze %dma_wait3A_68 : memref<1x128x128xf32, #tpu.memory_space<vmem>> -> memref<128x128xf32, #tpu.memory_space<vmem>>
    tpu.wait_dma2 semaphore(%arg12 : memref<!tpu.dma_semaphore, #tpu.memory_space<semaphore_mem>>) src(%dma_wait3A_69 : memref<128x128xf32, #tpu.memory_space<vmem>>) dst(%dma_wait3A_65 : memref<128x128xf32, #tpu.memory_space<hbm>>)
    return
  }
}

module attributes {stable_mosaic.version = 14 : i64} {
  func.func @_fuse_body(%arg0: memref<5x128xf32, #tpu.memory_space<vmem>>, %arg1: memref<200x128xf32, #tpu.memory_space<vmem>>, %arg2: memref<5x200x128xf32, #tpu.memory_space<vmem>>) attributes {dimension_semantics = [], scalar_prefetch = 0 : i64, scratch_operands = 0 : i64, tpu.core_type = #tpu.core_type<tc>} {
    %get3A = arith.constant 0 : index
    %get3A_0 = arith.constant 0 : index
    %get3A_1 = vector.load %arg0[%get3A, %get3A_0] : memref<5x128xf32, #tpu.memory_space<vmem>>, vector<5x128xf32>
    %broadcast_in_dim3A = vector.shape_cast %get3A_1 : vector<5x128xf32> to vector<5x1x128xf32>
    %get3A_2 = arith.constant 0 : index
    %get3A_3 = arith.constant 0 : index
    %get3A_4 = vector.load %arg1[%get3A_2, %get3A_3] : memref<200x128xf32, #tpu.memory_space<vmem>>, vector<200x128xf32>
    %broadcast_in_dim3A_5 = vector.shape_cast %get3A_4 : vector<200x128xf32> to vector<1x200x128xf32>
    %add3A = vector.broadcast %broadcast_in_dim3A : vector<5x1x128xf32> to vector<5x200x128xf32>
    %add3A_6 = vector.broadcast %broadcast_in_dim3A_5 : vector<1x200x128xf32> to vector<5x200x128xf32>
    %add3A_7 = arith.addf %add3A, %add3A_6 : vector<5x200x128xf32>
    %swap3A = arith.constant 0 : index
    %swap3A_8 = arith.constant 0 : index
    %swap3A_9 = arith.constant 0 : index
    %swap3A_10 = vector.load %arg2[%swap3A, %swap3A_8, %swap3A_9] : memref<5x200x128xf32, #tpu.memory_space<vmem>>, vector<5x200x128xf32>
    tpu.vector_store %arg2[%swap3A, %swap3A_8, %swap3A_9], %add3A_7 {strides = array<i32>} : memref<5x200x128xf32, #tpu.memory_space<vmem>>, vector<5x200x128xf32>,
    return
  }
}

</mosaic_0001>

<sc_bundles>
// kernel: kernel.4.cloned.1.call-start
scs
__scs_entry_jumppad:
0x0: {  	(pc) =	sbr.rel $0x88, $3  }
0x1: {  	(tag) =	ssettag $0x0;
	lr =	simm.s32 $0x1  }
0x2: {  	[smem:$0x3F9E] =	sst lr;
	_ =	strace $0xD0000000  }
0x3: {  	_ = 	snop  }
0x4: {  	_ = 	snop  }
0x5: {  	_ = 	snop  }
0x6: {  	_ = 	snop  }
0x7: {  	_ = 	snop  }
__scs_overlays_trampoline_lowered:
0x8: {  	[smem:$0x3FAD] =	sst s0  }
0x9: {  	[smem:$0x3FAE] =	sst s1  }
0xa: {  	[smem:$0x3FAF] =	sst s2  }
0xb: {  	[smem:$0x3FB0] =	sst s3  }
0xc: {  	[smem:$0x3FB1] =	sst s4  }
0xd: {  	[smem:$0x3FB2] =	sst s5  }
0xe: {  	[smem:$0x3FB3] =	sst s6  }
0xf: {  	[smem:$0x3FB4] =	sst s7  }
0x10: {  	[smem:$0x3FB5] =	sst s8  }
0x11: {  	[smem:$0x3FB6] =	sst s9;
	s0 =	simm.s32 @!p0 $0x0  }
0x12: {  	s1 =	sld [smem:$0x3F9C];
	s0 =	simm.s32 @p0 $0x1  }
0x13: {  	[smem:$0x3FB7] =	sst s0;
	s0 =	simm.s32 @!p1 $0x0  }
0x14: {  	s2 =	sld [smem:$0x3F9B];
	s0 =	simm.s32 @p1 $0x1  }
0x15: {  	[smem:$0x3FB8] =	sst s0;
	s0 =	simm.s32 @!p2 $0x0  }
0x16: {  	s3 =	sld [smem:$0x3FDB];
	s0 =	simm.s32 @p2 $0x1  }
0x17: {  	s4 =	simm.s32 $0x1BF5;
	[smem:$0x3FBA] =	sst s0  }
0x18: {  	s0 =	sld [smem:$0x3F9D];
	_ =	swait.ge [sflag:s4], $0x0  }
0x19: {  	s7 =	sld [smem:$0x3F9E]  }
0x1a: {  	s8 =	sadd.s32 $0xFFFFE003, lr  }
0x1b: {  	s9 =	sadd.s32 $0xFFFFFEF7, lr;
	s5 =	simm.s32 $0xFFFFFFFF;
	p2 =	slt.u32 s8, $0xFFFFF086  }
0x1c: {  	p1 =	slt.u32 s9, $0xF7A;
	s5 =	simm.s32 @!p2 $0x0  }
0x1d: {  	s5 =	simm.s32 @p1 $0x1;
	p0 =	seq.s32 s7, s2  }
0x1e: {  	s7 =	smul.u32 @!p0 $0xF7A, s2;
	p2 =	seq.s32 @!p0 s5, $0x0  }
0x1f: {  	s9 =	smul.u32 $0xF7A, s1;
	s8 =	simm.s32 @!p0 $0x1BF5;
	p2 =	por !p2, p0  }
0x20: {  	[sflag:s8] =	ssyncset.s32 @!p0 $0xFFFFF086;
	s6 =	sadd.s32 @!p0 s3, s7;
	s7 =	simm.s32 @!p0 $0x108  }
0x21: {  	s3 =	sadd.s32 s3, s9;
	s6 =	sadd.s32 @!p0 $0x88, s6;
	s7 =	simm.s32 @p2 $0x1082  }
0x22: {  	[simem:s7], [sflag:s8] =	dma.local @!p0 [hbm:s6], $0xF7A  }
0x23: {  	s9 =	sor.u32 $0xD0000000, s2;
	s6 =	simm.s32 $0x108;
	_ =	swait.ge @!p0 [sflag:s8], $0x0  }
0x24: {  	s3 =	sadd.s32 $0x88, s3;
	s6 =	simm.s32 @!p1 $0x1082;
	[sflag:s4] =	ssyncset.s32 $0xFFFFF086  }
0x25: {  	[simem:s6], [sflag:s4] =	dma.local [hbm:s3], $0xF7A  }
0x26: {  	[smem:$0x3F9E] =	sst s1;
	(tag) =	ssettag s2;
	_ =	strace s9  }
0x27: {  	s1 =	sld [smem:$0x3FAE]  }
0x28: {  	s2 =	sld [smem:$0x3FAF]  }
0x29: {  	s4 =	sld [smem:$0x3FB1]  }
0x2a: {  	p0 =	seq.s32 s5, $0x0;
	s5 =	sld [smem:$0x3FB2]  }
0x2b: {  	s6 =	sld [smem:$0x3FB3]  }
0x2c: {  	s7 =	sld [smem:$0x3FB4]  }
0x2d: {  	s3 =	simm.s32 $0x108;
	s8 =	sld [smem:$0x3FB5]  }
0x2e: {  	s3 =	simm.s32 @!p0 $0x1082;
	s9 =	sld [smem:$0x3FB6]  }
0x2f: {  	lr =	sadd.s32 s0, s3;
	s0 =	sld [smem:$0x3FAD]  }
0x30: {  	s3 =	sld [smem:$0x3FB0]  }
0x31: {  	[smem:$0x3FB9] =	sst s10  }
0x32: {  	s10 =	sld [smem:$0x3FB7];
	_ =	sdelay $0x3  }
0x33: {  	p0 =	seq.s32 s10, $0x1;
	s10 =	sld [smem:$0x3FB9];
	_ =	sdelay $0x3  }
0x34: {  	[smem:$0x3FB9] =	sst s10  }
0x35: {  	s10 =	sld [smem:$0x3FB8];
	_ =	sdelay $0x3  }
0x36: {  	p1 =	seq.s32 s10, $0x1;
	s10 =	sld [smem:$0x3FB9];
	_ =	sdelay $0x3  }
0x37: {  	[smem:$0x3FB9] =	sst s10  }
0x38: {  	s10 =	sld [smem:$0x3FBA]  }
0x39: {  	_ = 	snop;
	(pc) =	sbr.ind lr, $3  }
0x3a: {  	_ = 	snop  }
0x3b: {  	_ = 	snop  }
0x3c: {  	p2 =	seq.s32 s10, $0x1;
	s10 =	sld [smem:$0x3FB9]  }
0x3d: {  	_ =	shalt  }
0x3e: {  	_ =	shalt  }
0x3f: {  	_ =	shalt  }
0x40: {  	_ =	shalt  }
0x41: {  	_ =	shalt  }
0x42: {  	_ =	shalt  }
0x43: {  	_ =	shalt  }
0x44: {  	_ =	shalt  }
0x45: {  	_ =	shalt  }
0x46: {  	_ =	shalt  }
0x47: {  	_ =	shalt  }
0x48: {  	_ =	shalt  }
0x49: {  	_ =	shalt  }
0x4a: {  	_ =	shalt  }
0x4b: {  	_ =	shalt  }
0x4c: {  	_ =	shalt  }
0x4d: {  	_ =	shalt  }
0x4e: {  	_ =	shalt  }
0x4f: {  	_ =	shalt  }
0x50: {  	_ =	shalt  }
0x51: {  	_ =	shalt  }
0x52: {  	_ =	shalt  }
0x53: {  	_ =	shalt  }
0x54: {  	_ =	shalt  }
0x55: {  	_ =	shalt  }
0x56: {  	_ =	shalt  }
0x57: {  	_ =	shalt  }
0x58: {  	_ =	shalt  }
0x59: {  	_ =	shalt  }
0x5a: {  	_ =	shalt  }
0x5b: {  	_ =	shalt  }
0x5c: {  	_ =	shalt  }
0x5d: {  	_ =	shalt  }
0x5e: {  	_ =	shalt  }
0x5f: {  	_ =	shalt  }
0x60: {  	_ =	shalt  }
0x61: {  	_ =	shalt  }
0x62: {  	_ =	shalt  }
0x63: {  	_ =	shalt  }
0x64: {  	_ =	shalt  }
0x65: {  	_ =	shalt  }
0x66: {  	_ =	shalt  }
0x67: {  	_ =	shalt  }
0x68: {  	_ =	shalt  }
0x69: {  	_ =	shalt  }
0x6a: {  	_ =	shalt  }
0x6b: {  	_ =	shalt  }
0x6c: {  	_ =	shalt  }
0x6d: {  	_ =	shalt  }
0x6e: {  	_ =	shalt  }
0x6f: {  	_ =	shalt  }
0x70: {  	_ =	shalt  }
0x71: {  	_ =	shalt  }
0x72: {  	_ =	shalt  }
0x73: {  	_ =	shalt  }
0x74: {  	_ =	shalt  }
0x75: {  	_ =	shalt  }
0x76: {  	_ =	shalt  }
0x77: {  	_ =	shalt  }
0x78: {  	_ =	shalt  }
0x79: {  	_ =	shalt  }
0x7a: {  	_ =	shalt  }
0x7b: {  	_ =	shalt  }
0x7c: {  	_ =	shalt  }
0x7d: {  	_ =	shalt  }
0x7e: {  	_ =	shalt  }
0x7f: {  	_ =	shalt  }
0x80: {  	_ =	shalt  }
0x81: {  	_ =	shalt  }
0x82: {  	_ =	shalt  }
0x83: {  	_ =	shalt  }
0x84: {  	_ =	shalt  }
0x85: {  	_ =	shalt  }
0x86: {  	_ =	shalt  }
0x87: {  	_ =	shalt  }
.Lfunc_end0:
.L_simem_size_0:
called_computation_lowered:
.L_overlay_start_0:
0x88: {  	s2 =	sld [smem:$0x3FD9]  }
0x89: {  	s3 =	sld [smem:$0x3FFE];
	_ =	sdelay $0x1  }
0x8a: {  	s1 =	srdreg.scid  }
0x8b: {  	s0 =	sand.u32 $0x1, s1  }
0x8c: {  	s17 =	sshll.u32 s0, $0xA;
	s2 =	sadd.s32 s3, s2  }
0x8d: {  	s2 =	sadd.s32 s2, s17  }
0x8e: {  	[smem:$0x3FC5] =	sst s2  }
0x8f: {  	_ = 	snop  }
0x90: {  	s2 =	sld [smem:$0x3FD0];
	(tm) =	ssettm $0x1  }
0x91: {  	s18 =	sld [smem:$0x3FFB];
	_ =	sdelay $0x3  }
0x92: {  	_ =	strace s18  }
0x93: {  	s3 =	sld [smem:$0x3FFC];
	_ =	sdelay $0x3  }
0x94: {  	_ =	strace s3  }
0x95: {  	s3 =	sld [smem:$0x3FFD];
	_ =	sdelay $0x3  }
0x96: {  	_ =	strace s3  }
0x97: {  	_ =	strace $0x8FFFFFFF  }
0x98: {  	s19 =	sld [smem:$0x3FDB];
	_ =	sdelay $0x1  }
0x99: {  	s4 =	simm.s32 $_scs_section_size  }
0x9a: {  	s5 =	simm.s32 $_size__tile_overlayer_lowered;
	s6 =	simm.s32 $_tile_overlayer_lowered  }
0x9b: {  	s22 =	simm.s32 $0x1BFF;
	s21 =	sshll.u32 s6, $0x1;
	s3 =	sadd.s32 s4, s19  }
0x9c: {  	s7 =	simm.s32 $0x0;
	s20 =	sshll.u32 s5, $0x1;
	s5 =	sadd.s32 s21, s3  }
0x9d: {  	[timem:s7], [sflag:s22] =	dma.local [hbm:s5], s20  }
0x9e: {  	_ =	swait.ge [sflag:s22], s20  }
0x9f: {  	s4 =	ssub.s32 $0x0, s20;
	[sflag:s22] =	ssyncset.done $0x0  }
0xa0: {  	[sflag:s22] =	ssyncadd.s32 s4;
	_ =	sdelay $0x1  }
0xa1: {  	s23 =	simm.s32 $0x1B8B  }
0xa2: {  	_ =	swait.ge [sflag:s23], $0x1  }
0xa3: {  	[sflag:s23] =	ssyncset.done $0x0  }
0xa4: {  	s25 =	simm.s32 $0x1B8E;
	s24 =	sld [smem:$0x3FFE];
	[sflag:s23] =	ssyncadd.s32 $0xFFFFFFFF  }
0xa5: {  	s26 =	simm.s32 $execute0_lowered;
	[smem:$0x3FD2] =	sst s25  }
0xa6: {  	s5 =	sshll.u32 s26, $0x1;
	_ =	strace $0x80000046;
	[dreg:$0x1] =	wrdreg $0xFFFFFFFF  }
0xa7: {  	s28 =	simm.s32 $_size_execute0_lowered;
	s3 =	sadd.s32 s3, s5;
	[dreg:$0x0] =	wrdreg $0x0  }
0xa8: {  	s5 =	sshll.u32 s28, $0x1;
	[dreg:$0x2] =	wrdreg s3  }
0xa9: {  	[dreg:$0x3] =	wrdreg s5  }
0xaa: {  	[dreg:$0x4] =	wrdreg $0xC0  }
0xab: {  	_ =	task [dreg:s7], $0x5FFFF  }
0xac: {  	[dreg:$0x1] =	wrdreg $0xFFFFFFFF  }
0xad: {  	[dreg:$0x0] =	wrdreg $0x60  }
0xae: {  	[dreg:$0x2] =	wrdreg s24  }
0xaf: {  	[dreg:$0x3] =	wrdreg s2  }
0xb0: {  	[dreg:$0x4] =	wrdreg $0xB2000  }
0xb1: {  	[dreg:$0x5] =	wrdreg $0x9  }
0xb2: {  	_ =	task.clear_ibuf [dreg:s7], $0x6FFFF;
	_ =	strace $0x90000046  }
0xb3: {  	s29 =	simm.s32 $0x9;
	_ =	strace $0x80000048  }
0xb4: {  	_ =	swait.ge [sflag:s29], $0x1  }
0xb5: {  	[sflag:s29] =	ssyncadd.s32 $0xFFFFFFFF  }
0xb6: {  	_ =	strace $0x90000048  }
0xb7: {  	_ =	sfence  }
0xb8: {  	s30 =	sld [smem:$0x0];
	_ =	sdelay $0x2  }
0xb9: {  	s31 =	sshll.u32 s1, $0xD;
	s1 =	sshrl.u32 s1, $0x2  }
0xba: {  	s3 =	sand.u32 $0x4000, s31;
	s1 =	sadd.s32 s1, s30  }
0xbb: {  	s0 =	sor.u32 s3, s0;
	s1 =	sshll.u32 s1, $0x11  }
0xbc: {  	s0 =	sor.u32 s1, s0  }
0xbd: {  	s0 =	sadd.s32 $0x8F2B, s0  }
0xbe: {  	[sflag:s0] =	ssyncadd.remote.s32 $0x1  }
0xbf: {  	_ =	sfence.sel $0xFFFF  }
0xc0: {  	[dreg:$0x0] =	wrdreg $0xFFFFFFFF;
	(pc) =	sbr.abs _section_cstart, $3  }
0xc1: {  	[dreg:$0x1] =	wrdreg $0xFFFFFFFF  }
0xc2: {  	_ =	task.clear_ibuf [dreg:s7], $0x2FFFF;
	_ =	strace $0x9FFFFFFF  }
0xc3: {  	(tm) =	ssettm $0x7FFFFFFF  }
tec
execute0_lowered:
.L_overlay_start_1:
0x0: {  	(tag) =	ssettag $0x1  }
0x1: {  	s4 =	rddreg [dreg:$0x0]  }
0x2: {  	s9 =	rddreg [dreg:$0x1];
	s0 =	srdreg.scid  }
0x3: {  	s10 =	stileid.u32;
	s1 =	rddreg [dreg:$0x2]  }
0x4: {  	s2 =	simm.s32 $0x0;
	s15 =	simm.s32 $0x1980;
	s16 =	simm.s32 $0x7200  }
0x5: {  	s17 =	simm.s32 $0x1;
	s18 =	simm.s32 $0x3;
	s19 =	simm.s32 $0x2  }
0x6: {  	s20 =	simm.s32 $0x4;
	s21 =	simm.s32 $0x0;
	s13 =	smul.u32 $0x32000, s10  }
0x7: {  	s7 =	sand.u32 $0x1, s0;
	s0 =	rddreg [dreg:$0x3];
	s25 =	smul.u32 $0x190000, s10  }
0x8: {  	s3 =	sshll.u32 s10, $0x1;
	[smem:$0x7FF] =	sst s2;
	s26 =	smul.u32 $0xC8000, s7  }
0x9: {  	v2 =	vimm.s32 $0x76543210;
	p0 =	sne.s32 s10, $0x0;
	s5 =	sor.u32 s7, s3;
	s14 =	smul.u32 $0x19000, s7  }
0xa: {  	v0 =	vlaneseq.u32;
	v3 =	vimm.s32 $0xC3C2C1C0;
	_ =	strace $0x80000047;
	s3 =	sadd.s32 $0x6C00, s4;
	s6 =	smul.u32 $0x320, s5  }
0xb: {  	v4 =	vimm.s32 $0xC7C6C5C4;
	vm0 =	vcmask $0x1F10;
	v1 =	vor.u32 $0x10, v0;
	s11 =	ssub.s32 $0x2, s7;
	s10 =	sshrl.u32 @!p0 s1, $0x3;
	s8 =	smul.u32 $0xC8000, s5  }
0xc: {  	v5 =	vunpack.c.l.s4.s8 v2;
	v2 =	vor.u32 $0x20, v0;
	v6 =	vunpack.c.0.s8.s32 v3;
	s12 =	smul.u32 $0x19000, s5;
	s23 =	sshrl.u32 s11, $0x1;
	s29 =	sadd.s32 s13, s9  }
0xd: {  	v7 =	vunpack.c.0.s8.s32 v4;
	v3 =	vor.u32 $0x30, v0;
	v4 =	vor.u32 $0x40, v0;
	s13 =	simm.s32 $0x1900;
	s5 =	ssub.s32 s11, s23;
	s30 =	sadd.s32 s14, s29  }
0xe: {  	v10 =	vor.u32 $0xA0, v0;
	v11 =	vor.u32 $0xB0, v0;
	v8 =	vunpack.c.0.s8.s32 v5;
	s11 =	simm.s32 $0x5;
	s14 =	simm.s32 $0x3200;
	s4 =	sadd.s32 s6, s4  }
0xf: {  	v13 =	vadd.s32 $0x8, v0;
	v14 =	vadd.s32 $0x18, v0;
	v9 =	vsel vm0, v7, v6;
	s24 =	sshrl.u32 s8, $0x3;
	s5 =	smax.u32 s5, $0x1;
	s28 =	sadd.s32 s12, s9  }
0x10: {  	v15 =	vadd.s32 $0x28, v0;
	v16 =	vadd.s32 $0x38, v0;
	s8 =	sadd.s32 s26, s25;
	v12 =	vcombine.low v9, v8;
	s12 =	simm.s32 $0x80;
	s4 =	sadd.s32 $0x800, s4  }
0x11: {  	v5 =	vor.u32 $0x50, v0;
	v6 =	vor.u32 $0x60, v0;
	v7 =	vor.u32 $0x70, v0;
	s6 =	sadd.s32 s9, s24;
	s7 =	sadd.s32 $0x18800, s28;
	s31 =	sshrl.u32 s8, $0x3  }
0x12: {  	v8 =	vor.u32 $0x80, v0;
	v9 =	vor.u32 $0x90, v0;
	s8 =	sadd.s32 $0x800, s30;
	s6 =	sadd.s32 $0x18000, s6;
	s9 =	sadd.s32 s31, s9;
	v12 =	vand.u32 $0xFF, v12  }
.LBB2_1:
0x13: {  	[tilespmem:s2], [sflag:$0x5] =	stream.linear.gather [hbm4b:s4+s2], $0x1900, $0x38;
	[tilespmem:$0xD140] =	vst v63  }
0x14: {  	s22 =	simm.s32 @!p0 $0x1C06  }
0x15: {  	[spmem:s10], [sflag:s22] =	dma.local @!p0 [hbm:s3], $0x3E80  }
0x16: {  	s22 =	simm.s32 @!p0 $0x6  }
0x17: {  	_ =	swait.ge @!p0 [sflag:s22], $0x3E80  }
0x18: {  	[sflag:s22] =	ssyncset.done @!p0 $0x0  }
0x19: {  	[sflag:s22] =	ssyncadd.s32 @!p0 $0xFFFFC180  }
0x1a: {  	_ =	swait.ge [sflag:s11], $0x1900  }
0x1b: {  	[sflag:s11] =	ssyncset.done $0x0  }
0x1c: {  	[sflag:s11] =	ssyncadd.s32 $0xFFFFE700  }
0x1d: {  	v17 =	vld [tilespmem:$0x0]  }
0x1e: {  	v18 =	vld [tilespmem:$0x10]  }
0x1f: {  	v19 =	vld [tilespmem:$0x20]  }
0x20: {  	v20 =	vld [tilespmem:$0x30]  }
0x21: {  	v21 =	vld [tilespmem:$0x40]  }
0x22: {  	v22 =	vld [tilespmem:$0x50];
	v17 =	vmul.u32 $0xC8, v17  }
0x23: {  	v23 =	vld [tilespmem:$0x60];
	v18 =	vmul.u32 $0xC8, v18  }
0x24: {  	v24 =	vld [tilespmem:$0x70];
	v19 =	vmul.u32 $0xC8, v19;
	v17 =	vadd.s32 v0, v17  }
0x25: {  	v55 =	vld [tilespmem:$0x80];
	[tilespmem:$0x1900] =	vst v17;
	v17 =	vadd.s32 v1, v18;
	v18 =	vmul.u32 $0xC8, v20  }
0x26: {  	v56 =	vld [tilespmem:$0x90];
	[tilespmem:$0x1910] =	vst v17;
	v17 =	vadd.s32 v2, v19;
	v19 =	vmul.u32 $0xC8, v21  }
0x27: {  	v57 =	vld [tilespmem:$0xA0];
	[tilespmem:$0x1920] =	vst v17;
	v17 =	vadd.s32 v3, v18;
	v18 =	vmul.u32 $0xC8, v22  }
0x28: {  	v58 =	vld [tilespmem:$0xB0];
	[tilespmem:$0x1930] =	vst v17;
	v17 =	vadd.s32 v4, v19;
	v19 =	vmul.u32 $0xC8, v23  }
0x29: {  	v59 =	vld [tilespmem:$0xC0];
	[tilespmem:$0x1940] =	vst v17;
	v17 =	vadd.s32 v5, v18;
	v18 =	vmul.u32 $0xC8, v24  }
0x2a: {  	v60 =	vld [tilespmem:$0xD0];
	[tilespmem:$0x1950] =	vst v17;
	v17 =	vadd.s32 v6, v19;
	v19 =	vmul.u32 $0xC8, v55  }
0x2b: {  	v61 =	vld [tilespmem:$0xE0];
	[tilespmem:$0x1960] =	vst v17;
	v17 =	vadd.s32 v7, v18;
	v18 =	vmul.u32 $0xC8, v56  }
0x2c: {  	v62 =	vld [tilespmem:$0xF0];
	[tilespmem:$0x1970] =	vst v17;
	v17 =	vadd.s32 v8, v19;
	v19 =	vmul.u32 $0xC8, v57  }
0x2d: {  	[tilespmem:$0x1980] =	vst v17;
	v17 =	vadd.s32 v9, v18;
	v18 =	vmul.u32 $0xC8, v58  }
0x2e: {  	[tilespmem:$0x1990] =	vst v17;
	v17 =	vadd.s32 v10, v19;
	v19 =	vmul.u32 $0xC8, v59  }
0x2f: {  	[tilespmem:$0x19A0] =	vst v17;
	v17 =	vadd.s32 v11, v18;
	v18 =	vmul.u32 $0xC8, v60  }
0x30: {  	[tilespmem:$0x19B0] =	vst v17;
	v17 =	vadd.s32 v12, v19;
	v19 =	vmul.u32 $0xC8, v61  }
0x31: {  	[tilespmem:$0x19C0] =	vst v17;
	v17 =	vadd.s32 v13, v18;
	v18 =	vmul.u32 $0xC8, v62  }
0x32: {  	[tilespmem:$0x19D0] =	vst v17;
	v17 =	vadd.s32 v14, v19  }
0x33: {  	[tilespmem:$0x19E0] =	vst v17;
	v17 =	vadd.s32 v15, v18  }
0x34: {  	[tilespmem:$0x19F0] =	vst v17  }
0x35: {  	[bflag:$0x0] =	sbarrier.arrive $0xFFFF  }
0x36: {  	[tilespmem:s14], [sflag:$0x1] =	stream.indirect.gather [spmem:s1], $0x80, s13, s12, $0xb8;
	[tilespmem:$0xD140] =	vst v63  }
0x37: {  	s31 =	simm.s32 $0x170  }
0x38: {  	[tilespmem:s16], [sflag:$0x2] =	stream.indirect.gather [spmem:s1], $0x80, s15, s12, $0xb8;
	[tilespmem:$0xD140] =	vst v63  }
0x39: {  	v17 =	vld [tilespmem:s31+$0xFFFFFF90];
	_ =	sdelay $0x4  }
0x3a: {  	v17 =	vmul.u32 $0xC8, v17;
	_ =	sdelay $0x1  }
0x3b: {  	s23 =	simm.s32 $0x1A70;
	v17 =	vadd.s32 v16, v17  }
0x3c: {  	[tilespmem:s23+$0xFFFFFF90] =	vst v17  }
0x3d: {  	v17 =	vld [tilespmem:s31+$0xFFFFFFA0];
	_ =	sdelay $0x3  }
0x3e: {  	v18 =	vadd.s32 $0x10, v16  }
0x3f: {  	v19 =	vadd.s32 $0xFFFFFF48, v16;
	vm0 =	vgt.s32 v18, $0xC7;
	v17 =	vmul.u32 $0xC8, v17  }
0x40: {  	v18 =	vsel vm0, v19, v18  }
0x41: {  	v17 =	vadd.s32 v18, v17  }
0x42: {  	[tilespmem:s23+$0xFFFFFFA0] =	vst v17  }
0x43: {  	v17 =	vld [tilespmem:s31+$0xFFFFFFB0];
	_ =	sdelay $0x3  }
0x44: {  	v19 =	vadd.s32 $0x10, v18  }
0x45: {  	vm10 =	vgt.s32 v19, $0xC7;
	v18 =	vadd.s32 $0xFFFFFF48, v18;
	v17 =	vmul.u32 $0xC8, v17  }
0x46: {  	v18 =	vsel vm10, v18, v19  }
0x47: {  	v17 =	vadd.s32 v18, v17  }
0x48: {  	[tilespmem:s23+$0xFFFFFFB0] =	vst v17  }
0x49: {  	v17 =	vld [tilespmem:s31+$0xFFFFFFC0];
	_ =	sdelay $0x3  }
0x4a: {  	v19 =	vadd.s32 $0x10, v18  }
0x4b: {  	vm11 =	vgt.s32 v19, $0xC7;
	v18 =	vadd.s32 $0xFFFFFF48, v18;
	v17 =	vmul.u32 $0xC8, v17  }
0x4c: {  	v18 =	vsel vm11, v18, v19  }
0x4d: {  	v17 =	vadd.s32 v18, v17  }
0x4e: {  	[tilespmem:s23+$0xFFFFFFC0] =	vst v17  }
0x4f: {  	v17 =	vld [tilespmem:s31+$0xFFFFFFD0];
	_ =	sdelay $0x3  }
0x50: {  	v19 =	vadd.s32 $0x10, v18  }
0x51: {  	vm12 =	vgt.s32 v19, $0xC7;
	v18 =	vadd.s32 $0xFFFFFF48, v18;
	v17 =	vmul.u32 $0xC8, v17  }
0x52: {  	v18 =	vsel vm12, v18, v19  }
0x53: {  	v17 =	vadd.s32 v18, v17  }
0x54: {  	[tilespmem:s23+$0xFFFFFFD0] =	vst v17  }
0x55: {  	v17 =	vld [tilespmem:s31+$0xFFFFFFE0];
	_ =	sdelay $0x3  }
0x56: {  	v19 =	vadd.s32 $0x10, v18  }
0x57: {  	vm13 =	vgt.s32 v19, $0xC7;
	v18 =	vadd.s32 $0xFFFFFF48, v18;
	v17 =	vmul.u32 $0xC8, v17  }
0x58: {  	v18 =	vsel vm13, v18, v19  }
0x59: {  	v17 =	vadd.s32 v18, v17  }
0x5a: {  	[tilespmem:s23+$0xFFFFFFE0] =	vst v17  }
0x5b: {  	v17 =	vld [tilespmem:s31+$0xFFFFFFF0];
	_ =	sdelay $0x3  }
0x5c: {  	v19 =	vadd.s32 $0x10, v18  }
0x5d: {  	vm14 =	vgt.s32 v19, $0xC7;
	v18 =	vadd.s32 $0xFFFFFF48, v18;
	v17 =	vmul.u32 $0xC8, v17  }
0x5e: {  	v18 =	vsel vm14, v18, v19  }
0x5f: {  	v17 =	vadd.s32 v18, v17  }
0x60: {  	[tilespmem:s23+$0xFFFFFFF0] =	vst v17  }
0x61: {  	v17 =	vld [tilespmem:s31+$0x0];
	_ =	sdelay $0x3  }
0x62: {  	v19 =	vadd.s32 $0x10, v18  }
0x63: {  	vm15 =	vgt.s32 v19, $0xC7;
	v18 =	vadd.s32 $0xFFFFFF48, v18;
	v63 =	vmul.u32 $0xC8, v17  }
0x64: {  	v17 =	vsel vm15, v18, v19  }
0x65: {  	v18 =	vadd.s32 v17, v63  }
0x66: {  	s24 =	simm.s32 $0x10;
	s25 =	simm.s32 $0x1F0;
	s22 =	simm.s32 $0x1A80;
	[tilespmem:s23+$0x0] =	vst v18  }
.LBB2_2:
0x67: {  	v18 =	vld [tilespmem:s25+$0xFFFFFF90];
	s24 =	sadd.s32 $0x8, s24  }
0x68: {  	p1 =	slt.u32 s24, $0x188;
	_ =	sdelay $0x2  }
0x69: {  	v19 =	vadd.s32 $0x10, v17  }
0x6a: {  	v17 =	vadd.s32 $0xFFFFFF48, v17;
	vm0 =	vgt.s32 v19, $0xC7;
	v18 =	vmul.u32 $0xC8, v18  }
0x6b: {  	v17 =	vsel vm0, v17, v19  }
0x6c: {  	s23 =	sadd.s32 $0x80, s23;
	v18 =	vadd.s32 v17, v18  }
0x6d: {  	[tilespmem:s23+$0xFFFFFF90] =	vst v18  }
0x6e: {  	v18 =	vld [tilespmem:s25+$0xFFFFFFA0];
	_ =	sdelay $0x3  }
0x6f: {  	v19 =	vadd.s32 $0x10, v17  }
0x70: {  	vm0 =	vgt.s32 v19, $0xC7;
	v17 =	vadd.s32 $0xFFFFFF48, v17;
	v18 =	vmul.u32 $0xC8, v18  }
0x71: {  	v17 =	vsel vm0, v17, v19  }
0x72: {  	v18 =	vadd.s32 v17, v18  }
0x73: {  	[tilespmem:s23+$0xFFFFFFA0] =	vst v18  }
0x74: {  	v18 =	vld [tilespmem:s25+$0xFFFFFFB0];
	_ =	sdelay $0x3  }
0x75: {  	v19 =	vadd.s32 $0x10, v17  }
0x76: {  	vm0 =	vgt.s32 v19, $0xC7;
	v17 =	vadd.s32 $0xFFFFFF48, v17;
	v18 =	vmul.u32 $0xC8, v18  }
0x77: {  	v17 =	vsel vm0, v17, v19  }
0x78: {  	v18 =	vadd.s32 v17, v18  }
0x79: {  	[tilespmem:s23+$0xFFFFFFB0] =	vst v18  }
0x7a: {  	v18 =	vld [tilespmem:s25+$0xFFFFFFC0];
	_ =	sdelay $0x3  }
0x7b: {  	v19 =	vadd.s32 $0x10, v17  }
0x7c: {  	vm0 =	vgt.s32 v19, $0xC7;
	v17 =	vadd.s32 $0xFFFFFF48, v17;
	v18 =	vmul.u32 $0xC8, v18  }
0x7d: {  	v17 =	vsel vm0, v17, v19  }
0x7e: {  	v18 =	vadd.s32 v17, v18  }
0x7f: {  	[tilespmem:s23+$0xFFFFFFC0] =	vst v18  }
0x80: {  	v18 =	vld [tilespmem:s25+$0xFFFFFFD0];
	_ =	sdelay $0x3  }
0x81: {  	v19 =	vadd.s32 $0x10, v17  }
0x82: {  	vm0 =	vgt.s32 v19, $0xC7;
	v17 =	vadd.s32 $0xFFFFFF48, v17;
	v18 =	vmul.u32 $0xC8, v18  }
0x83: {  	v17 =	vsel vm0, v17, v19  }
0x84: {  	v18 =	vadd.s32 v17, v18  }
0x85: {  	[tilespmem:s23+$0xFFFFFFD0] =	vst v18  }
0x86: {  	v18 =	vld [tilespmem:s25+$0xFFFFFFE0];
	_ =	sdelay $0x3  }
0x87: {  	v19 =	vadd.s32 $0x10, v17  }
0x88: {  	vm0 =	vgt.s32 v19, $0xC7;
	v17 =	vadd.s32 $0xFFFFFF48, v17;
	v18 =	vmul.u32 $0xC8, v18  }
0x89: {  	v17 =	vsel vm0, v17, v19  }
0x8a: {  	v18 =	vadd.s32 v17, v18  }
0x8b: {  	[tilespmem:s23+$0xFFFFFFE0] =	vst v18  }
0x8c: {  	v18 =	vld [tilespmem:s25+$0xFFFFFFF0];
	_ =	sdelay $0x3  }
0x8d: {  	v19 =	vadd.s32 $0x10, v17  }
0x8e: {  	vm0 =	vgt.s32 v19, $0xC7;
	v17 =	vadd.s32 $0xFFFFFF48, v17;
	v18 =	vmul.u32 $0xC8, v18  }
0x8f: {  	v17 =	vsel vm0, v17, v19  }
0x90: {  	v18 =	vadd.s32 v17, v18  }
0x91: {  	[tilespmem:s23+$0xFFFFFFF0] =	vst v18  }
0x92: {  	v18 =	vld [tilespmem:s25+$0x0];
	_ =	sdelay $0x3  }
.Ltmp0:
0x93: {  	v19 =	vadd.s32 $0x10, v17;
	(pc) =	sbr.rel @p1 .LBB2_2-.Ltmp0, $4  }
0x94: {  	vm0 =	vgt.s32 v19, $0xC7;
	v17 =	vadd.s32 $0xFFFFFF48, v17;
	v18 =	vmul.u32 $0xC8, v18  }
0x95: {  	v17 =	vsel vm0, v17, v19  }
0x96: {  	v18 =	vadd.s32 v17, v18  }
0x97: {  	s25 =	sadd.s32 $0x80, s25;
	[tilespmem:s23+$0x0] =	vst v18  }
0x98: {  	_ =	swait.ge [sflag:s17], $0x4000  }
0x99: {  	[sflag:s17] =	ssyncset.done $0x0  }
0x9a: {  	s23 =	sadd.s32 $0x0, s9;
	[sflag:s17] =	ssyncadd.s32 $0xFFFFC000  }
0x9b: {  	[hbm4b:s23+s2] =	stream.linear.scatter [tilespmem:s14], [sflag:$0x3], $0x4000, $0x38;
	[tilespmem:$0xD140] =	vst v63  }
0x9c: {  	_ =	swait.ge [sflag:s18], $0x4000  }
0x9d: {  	[sflag:s18] =	ssyncset.done $0x0  }
0x9e: {  	s30 =	simm.s32 $0x1A00;
	[sflag:s18] =	ssyncadd.s32 $0xFFFFC000  }
0x9f: {  	[tilespmem:s14], [sflag:$0x1] =	stream.indirect.gather [spmem:s1], $0x80, s30, s12, $0xb8;
	[tilespmem:$0xD140] =	vst v63  }
0xa0: {  	_ =	swait.ge [sflag:s19], $0x4000  }
0xa1: {  	[sflag:s19] =	ssyncset.done $0x0  }
0xa2: {  	s31 =	sadd.s32 $0x0, s8;
	[sflag:s19] =	ssyncadd.s32 $0xFFFFC000  }
0xa3: {  	[hbm4b:s31+s2] =	stream.linear.scatter [tilespmem:s16], [sflag:$0x4], $0x4000, $0x38;
	[tilespmem:$0xD140] =	vst v63  }
0xa4: {  	_ =	swait.ge [sflag:s20], $0x4000  }
0xa5: {  	[sflag:s20] =	ssyncset.done $0x0  }
0xa6: {  	s24 =	simm.s32 $0x1B80;
	s23 =	simm.s32 $0x1000;
	[sflag:s20] =	ssyncadd.s32 $0xFFFFC000  }
.LBB2_4:
0xa7: {  	[tilespmem:s16], [sflag:$0x2] =	stream.indirect.gather [spmem:s1], $0x80, s22, s12, $0xb8;
	[tilespmem:$0xD140] =	vst v63  }
0xa8: {  	s25 =	smov.u32 s23;
	s22 =	smov.u32 s24  }
0xa9: {  	p1 =	sne.s32 s23, $0x17000;
	s23 =	sadd.s32 $0x1000, s23;
	_ =	swait.ge [sflag:s17], $0x4000  }
0xaa: {  	[sflag:s17] =	ssyncset.done $0x0  }
0xab: {  	s26 =	sadd.s32 s25, s9;
	[sflag:s17] =	ssyncadd.s32 $0xFFFFC000  }
0xac: {  	[hbm4b:s26+s2] =	stream.linear.scatter [tilespmem:s14], [sflag:$0x3], $0x4000, $0x38;
	[tilespmem:$0xD140] =	vst v63  }
0xad: {  	_ =	swait.ge [sflag:s18], $0x4000  }
0xae: {  	[sflag:s18] =	ssyncset.done $0x0  }
0xaf: {  	s26 =	sadd.s32 $0xFFFFFF80, s24;
	[sflag:s18] =	ssyncadd.s32 $0xFFFFC000  }
0xb0: {  	[tilespmem:s14], [sflag:$0x1] =	stream.indirect.gather [spmem:s1], $0x80, s26, s12, $0xb8;
	[tilespmem:$0xD140] =	vst v63  }
0xb1: {  	_ =	swait.ge [sflag:s19], $0x4000  }
0xb2: {  	[sflag:s19] =	ssyncset.done $0x0  }
.Ltmp1:
0xb3: {  	s25 =	sadd.s32 s25, s8;
	[sflag:s19] =	ssyncadd.s32 $0xFFFFC000;
	(pc) =	sbr.rel @p1 .LBB2_4-.Ltmp1, $4  }
0xb4: {  	[hbm4b:s25+s2] =	stream.linear.scatter [tilespmem:s16], [sflag:$0x4], $0x4000, $0x38;
	[tilespmem:$0xD140] =	vst v63  }
0xb5: {  	_ =	swait.ge [sflag:s20], $0x4000  }
0xb6: {  	[sflag:s20] =	ssyncset.done $0x0  }
0xb7: {  	s24 =	sadd.s32 $0x100, s24;
	[sflag:s20] =	ssyncadd.s32 $0xFFFFC000  }
0xb8: {  	[tilespmem:s16], [sflag:$0x2] =	stream.indirect.gather [spmem:s1], $0x80, s22, s12, $0xb8;
	[tilespmem:$0xD140] =	vst v63  }
0xb9: {  	_ =	swait.ge [sflag:s17], $0x4000  }
0xba: {  	[sflag:s17] =	ssyncset.done $0x0  }
0xbb: {  	[sflag:s17] =	ssyncadd.s32 $0xFFFFC000  }
0xbc: {  	[hbm4b:s6+s2] =	stream.linear.scatter [tilespmem:s14], [sflag:$0x3], $0x4000, $0x38;
	[tilespmem:$0xD140] =	vst v63  }
0xbd: {  	_ =	swait.ge [sflag:s19], $0x4000  }
0xbe: {  	[sflag:s19] =	ssyncset.done $0x0  }
0xbf: {  	s21 =	sadd.s32 $0x1, s21;
	[sflag:s19] =	ssyncadd.s32 $0xFFFFC000  }
0xc0: {  	[hbm4b:s7+s2] =	stream.linear.scatter [tilespmem:s16], [sflag:$0x4], $0x4000, $0x38;
	[tilespmem:$0xD140] =	vst v63  }
0xc1: {  	p1 =	sne.s32 s21, s5;
	_ =	swait.ge [sflag:s18], $0x4000  }
.Ltmp2:
0xc2: {  	[sflag:s18] =	ssyncset.done $0x0;
	(pc) =	sbr.rel @p1 .LBB2_1-.Ltmp2, $4  }
0xc3: {  	[sflag:s18] =	ssyncadd.s32 $0xFFFFC000  }
0xc4: {  	_ =	swait.ge [sflag:s20], $0x4000  }
0xc5: {  	[sflag:s20] =	ssyncset.done $0x0  }
0xc6: {  	[sflag:s20] =	ssyncadd.s32 $0xFFFFC000  }
0xc7: {  	_ =	sfence.sel $0x180000  }
0xc8: {  	[bflag:$0x0] =	sbarrier.arrive $0xFFFF  }
0xc9: {  	_ =	strace $0x90000047  }
0xca: {  	s0 =	sadd.s32 @!p0 $0x100000, s0;
	[bflag:$0x2] =	sbarrier.arrive $0xFFFF  }
0xcb: {  	[sflag:s0] =	ssyncadd.tile.s32 @!p0 $0x1;
	_ =	shalt  }
.Lfunc_end2:
_tile_overlayer_lowered:
.L_overlay_start_2:
0xcc: {  	(tag) =	ssettag $0x2  }
0xcd: {  	s0 =	rddreg [dreg:$0x0];
	s2 =	stileid.u32  }
0xce: {  	s1 =	rddreg [dreg:$0x1];
	p0 =	sne.s32 s2, $0x0  }
0xcf: {  	s3 =	rddreg [dreg:$0x2];
	[bflag:$0x3] =	sbarrier.arrive $0xFFFF;
	s2 =	simm.s32 @!p0 $0x1C06  }
0xd0: {  	[timem:s3], [sflag:s2] =	dma.local @!p0 [hbm:s0], s1  }
0xd1: {  	s0 =	simm.s32 @!p0 $0x6  }
0xd2: {  	_ =	swait.ge @!p0 [sflag:s0], s1  }
0xd3: {  	s1 =	ssub.s32 @!p0 $0x0, s1;
	[sflag:s0] =	ssyncset.done @!p0 $0x0  }
0xd4: {  	[sflag:s0] =	ssyncadd.s32 @!p0 s1  }
0xd5: {  	[bflag:$0x3] =	sbarrier.arrive $0xFFFF  }
0xd6: {  	_ =	shalt  }

</sc_bundles>
